<compile_context>
chip_gen: v7x
topology: tpu7x:2x2x1
jax: 0.10.2.dev20260603
libtpu: 0.0.44.dev20260713+nightly
codegen_flags: <defaults>
</compile_context>

<pallas_src>
import functools

import jax
import jax.numpy as jnp
from jax import lax
from jax.experimental import pallas as pl
from jax.experimental.pallas import tpu as pltpu
from jax.experimental.pallas import tpu_sc as plsc

_B = 16384
_VOCAB_F1 = 3
_VOCAB_F2 = 11
_EMB_DIM = 10
_H1 = 20
_NCOMBO = _VOCAB_F1 * _VOCAB_F2
_TBL = 64

_NC, _NS, _L = 2, 16, 16
_NW = _NC * _NS
_BPW = _B // _NW


def _table_body(emb_ref, w1_ref, b1_ref, w2_ref, b2_ref, out_ref):
    c = lax.broadcasted_iota(jnp.int32, (_TBL, 1), 0)
    a = c // _VOCAB_F2
    b = c % _VOCAB_F2
    oh1 = (a == lax.broadcasted_iota(jnp.int32, (_TBL, _VOCAB_F1), 1)).astype(jnp.float32)
    oh2 = (b == lax.broadcasted_iota(jnp.int32, (_TBL, _VOCAB_F2), 1)).astype(jnp.float32)
    emb = jnp.dot(oh2, emb_ref[...], preferred_element_type=jnp.float32)
    h = (jnp.dot(oh1, w1_ref[: _VOCAB_F1, :], preferred_element_type=jnp.float32)
         + jnp.dot(emb, w1_ref[_VOCAB_F1:, :], preferred_element_type=jnp.float32)
         + jnp.broadcast_to(b1_ref[...], (_TBL, _H1)))
    h = jnp.maximum(h, 0.0)
    y = lax.dot_general(w2_ref[...], h, (((0,), (1,)), ((), ())),
                        preferred_element_type=jnp.float32)
    y = y + jnp.broadcast_to(b2_ref[...], (1, _TBL))
    out_ref[...] = y / (1.0 + jnp.abs(y))


_table_call = pl.pallas_call(
    _table_body,
    out_shape=jax.ShapeDtypeStruct((1, _TBL), jnp.float32),
)


@functools.partial(
    pl.kernel,
    out_type=jax.ShapeDtypeStruct((_B,), jnp.float32),
    mesh=plsc.VectorSubcoreMesh(core_axis_name="c", subcore_axis_name="s"),
    compiler_params=pltpu.CompilerParams(needs_layout_passes=False),
    scratch_types=[
        pltpu.VMEM((_BPW,), jnp.int32),
        pltpu.VMEM((_BPW,), jnp.int32),
        pltpu.VMEM((_TBL,), jnp.float32),
        pltpu.VMEM((_BPW,), jnp.float32),
        pltpu.SemaphoreType.DMA,
    ],
)
def _sc_gather(f1_hbm, f2_hbm, tbl_hbm, out_hbm, f1_v, f2_v, tbl_v, out_v, sem):
    wid = lax.axis_index("s") * _NC + lax.axis_index("c")
    base = wid * _BPW
    c1 = pltpu.async_copy(tbl_hbm, tbl_v, sem)
    c2 = pltpu.async_copy(f1_hbm.at[pl.ds(base, _BPW)], f1_v, sem)
    c3 = pltpu.async_copy(f2_hbm.at[pl.ds(base, _BPW)], f2_v, sem)
    c1.wait()
    c2.wait()
    c3.wait()
    half = _BPW // 2
    for i in range(half // _L):
        s = pl.ds(i * _L, _L)
        idx = f1_v[s] * _VOCAB_F2 + f2_v[s]
        out_v[s] = plsc.load_gather(tbl_v, [idx])
    o1 = pltpu.async_copy(out_v.at[pl.ds(0, half)],
                          out_hbm.at[pl.ds(base, half)], sem)
    for i in range(half // _L, _BPW // _L):
        s = pl.ds(i * _L, _L)
        idx = f1_v[s] * _VOCAB_F2 + f2_v[s]
        out_v[s] = plsc.load_gather(tbl_v, [idx])
    o2 = pltpu.async_copy(out_v.at[pl.ds(half, half)],
                          out_hbm.at[pl.ds(base + half, half)], sem)
    o1.wait()
    o2.wait()


def kernel(f1, f2, emb_f2, W1, b1, W2, b2):
    f1 = f1.astype(jnp.int32)
    f2 = f2.astype(jnp.int32)
    tbl = _table_call(emb_f2, W1, b1, W2, b2)
    out = _sc_gather(f1, f2, tbl.reshape(_TBL))
    return out.reshape(_B, 1)

# --- scband reference (transcript-rebuilt; emitter-appended) ---
"""Pipeline reference for scband-my-model-87522843560741 (READ-ONLY COPY).

The authoritative reference and input builder live on the scoring server;
editing this copy changes nothing except your own understanding.
"""

import jax, jax.numpy as jnp
import numpy as np

B = 16384
VOCAB_F1 = 3          # one-hot indicator column, 3 vocab entries, 0 oov
VOCAB_F2 = 11         # 6 vocab entries + 5 oov buckets
EMB_DIM = 10
CONCAT_DIM = VOCAB_F1 + EMB_DIM  # 13 (DenseFeatures concatenates columns sorted by name: f1 indicator then f2 embedding)
H1 = 20


def setup_inputs(seed: int = 0) -> dict:
    key = jax.random.key(seed)
    k1, k2, k3, k4, k5 = jax.random.split(key, 5)
    f1 = jax.random.randint(k1, (B,), 0, VOCAB_F1)
    f2 = jax.random.randint(k2, (B,), 0, VOCAB_F2)
    # learned params
    emb_f2 = jax.random.normal(k3, (VOCAB_F2, EMB_DIM), dtype=jnp.float32) * 0.1
    W1 = jax.random.normal(k4, (CONCAT_DIM, H1), dtype=jnp.float32) * (1.0 / np.sqrt(CONCAT_DIM))
    b1 = jnp.zeros((H1,), dtype=jnp.float32)
    W2 = jax.random.normal(k5, (H1, 1), dtype=jnp.float32) * (1.0 / np.sqrt(H1))
    b2 = jnp.zeros((1,), dtype=jnp.float32)
    return {"f1": f1, "f2": f2, "emb_f2": emb_f2, "W1": W1, "b1": b1, "W2": W2, "b2": b2}


def reference(f1, f2, emb_f2, W1, b1, W2, b2):
    # DenseFeatures: indicator(one-hot) for f1, embedding lookup for f2, concatenated
    onehot_f1 = jax.nn.one_hot(f1, VOCAB_F1, dtype=jnp.float32)
    emb = jnp.take(emb_f2, f2, axis=0)
    x = jnp.concatenate([onehot_f1, emb], axis=-1)  # [B, 13]
    x = jax.nn.relu(jnp.dot(x, W1) + b1)            # Dense(20, relu)
    x = jax.nn.soft_sign(jnp.dot(x, W2) + b2)       # Dense(1, softsign)
    return x

if __name__ == "__main__":
    import jax
    _d = setup_inputs()
    print(jax.jit(kernel)(*tuple(_d.values())))

</pallas_src>

<mosaic_0001>
#map = affine_map<(d0, d1) -> (0)>
module attributes {stable_mosaic.version = 14 : i64} {
  func.func @_sc_gather(%arg0: i32, %arg1: i32, %arg2: memref<16384xi32, #tpu.memory_space<hbm>>, %arg3: memref<16384xi32, #tpu.memory_space<hbm>>, %arg4: memref<64xf32, #tpu.memory_space<hbm>>, %arg5: memref<16384xf32, #tpu.memory_space<hbm>>, %arg6: memref<512xi32, #tpu.memory_space<vmem>>, %arg7: memref<512xi32, #tpu.memory_space<vmem>>, %arg8: memref<64xf32, #tpu.memory_space<vmem>>, %arg9: memref<512xf32, #tpu.memory_space<vmem>>, %arg10: memref<!tpu.dma_semaphore, #tpu.memory_space<semaphore_mem>>) attributes {dimension_semantics = [#tpu.dimension_semantics<core_parallel>, #tpu.dimension_semantics<subcore_parallel>], iteration_bounds = array<i64: 2, 16>, scalar_prefetch = 0 : i64, scratch_operands = 5 : i64, tpu.core_type = #tpu.core_type<sc_vector_subcore>, window_params = [{transform_indices = #map}, {transform_indices = #map}, {transform_indices = #map}, {transform_indices = #map}]} {
    %mul3A = arith.constant 2 : i32
    %mul3A_0 = arith.muli %arg1, %mul3A : i32
    %add3A = arith.addi %mul3A_0, %arg0 : i32
    %mul3A_1 = arith.constant 512 : i32
    %mul3A_2 = arith.muli %add3A, %mul3A_1 : i32
    tpu.enqueue_dma source(%arg4 : memref<64xf32, #tpu.memory_space<hbm>>) target(%arg8 : memref<64xf32, #tpu.memory_space<vmem>>) target_semaphore(%arg10 : memref<!tpu.dma_semaphore, #tpu.memory_space<semaphore_mem>>)
    %dma_start3A = tpu.memref_slice %arg2[%mul3A_2] : memref<16384xi32, #tpu.memory_space<hbm>> -> memref<512xi32, #tpu.memory_space<hbm>>
    %dma_start3A_3 = tpu.memref_slice %arg2[%mul3A_2] : memref<16384xi32, #tpu.memory_space<hbm>> -> memref<512xi32, #tpu.memory_space<hbm>>
    tpu.enqueue_dma source(%dma_start3A_3 : memref<512xi32, #tpu.memory_space<hbm>>) target(%arg6 : memref<512xi32, #tpu.memory_space<vmem>>) target_semaphore(%arg10 : memref<!tpu.dma_semaphore, #tpu.memory_space<semaphore_mem>>)
    %dma_start3A_4 = tpu.memref_slice %arg3[%mul3A_2] : memref<16384xi32, #tpu.memory_space<hbm>> -> memref<512xi32, #tpu.memory_space<hbm>>
    %dma_start3A_5 = tpu.memref_slice %arg3[%mul3A_2] : memref<16384xi32, #tpu.memory_space<hbm>> -> memref<512xi32, #tpu.memory_space<hbm>>
    tpu.enqueue_dma source(%dma_start3A_5 : memref<512xi32, #tpu.memory_space<hbm>>) target(%arg7 : memref<512xi32, #tpu.memory_space<vmem>>) target_semaphore(%arg10 : memref<!tpu.dma_semaphore, #tpu.memory_space<semaphore_mem>>)
    tpu.wait_dma2 semaphore(%arg10 : memref<!tpu.dma_semaphore, #tpu.memory_space<semaphore_mem>>) src(%arg4 : memref<64xf32, #tpu.memory_space<hbm>>) dst(%arg8 : memref<64xf32, #tpu.memory_space<vmem>>)
    %dma_wait3A = tpu.memref_slice %arg2[%mul3A_2] : memref<16384xi32, #tpu.memory_space<hbm>> -> memref<512xi32, #tpu.memory_space<hbm>>
    %dma_wait3A_6 = tpu.memref_slice %arg2[%mul3A_2] : memref<16384xi32, #tpu.memory_space<hbm>> -> memref<512xi32, #tpu.memory_space<hbm>>
    tpu.wait_dma2 semaphore(%arg10 : memref<!tpu.dma_semaphore, #tpu.memory_space<semaphore_mem>>) src(%dma_wait3A_6 : memref<512xi32, #tpu.memory_space<hbm>>) dst(%arg6 : memref<512xi32, #tpu.memory_space<vmem>>)
    %dma_wait3A_7 = tpu.memref_slice %arg3[%mul3A_2] : memref<16384xi32, #tpu.memory_space<hbm>> -> memref<512xi32, #tpu.memory_space<hbm>>
    %dma_wait3A_8 = tpu.memref_slice %arg3[%mul3A_2] : memref<16384xi32, #tpu.memory_space<hbm>> -> memref<512xi32, #tpu.memory_space<hbm>>
    tpu.wait_dma2 semaphore(%arg10 : memref<!tpu.dma_semaphore, #tpu.memory_space<semaphore_mem>>) src(%dma_wait3A_8 : memref<512xi32, #tpu.memory_space<hbm>>) dst(%arg7 : memref<512xi32, #tpu.memory_space<vmem>>)
    %get3A = arith.constant 0 : index
    %get3A_9 = tpu.vector_load %arg6[%get3A] {strides = array<i32>} : memref<512xi32, #tpu.memory_space<vmem>>, vector<16xi32>,
    %mul3A_10 = arith.constant 11 : i32
    %mul3A_11 = vector.broadcast %mul3A_10 : i32 to vector<16xi32>
    %mul3A_12 = arith.muli %get3A_9, %mul3A_11 : vector<16xi32>
    %get3A_13 = arith.constant 0 : index
    %get3A_14 = tpu.vector_load %arg7[%get3A_13] {strides = array<i32>} : memref<512xi32, #tpu.memory_space<vmem>>, vector<16xi32>,
    %add3A_15 = arith.addi %mul3A_12, %get3A_14 : vector<16xi32>
    %gather3A = tpu.vector_load_idx %arg8[%add3A_15] : memref<64xf32, #tpu.memory_space<vmem>>[vector<16xi32>], vector<16xf32>,
    %swap3A = arith.constant 0 : index
    %swap3A_16 = tpu.vector_load %arg9[%swap3A] {strides = array<i32>} : memref<512xf32, #tpu.memory_space<vmem>>, vector<16xf32>,
    tpu.vector_store %arg9[%swap3A], %gather3A {strides = array<i32>} : memref<512xf32, #tpu.memory_space<vmem>>, vector<16xf32>,
    %get3A_17 = arith.constant 16 : index
    %get3A_18 = tpu.vector_load %arg6[%get3A_17] {strides = array<i32>} : memref<512xi32, #tpu.memory_space<vmem>>, vector<16xi32>,
    %mul3A_19 = arith.constant 11 : i32
    %mul3A_20 = vector.broadcast %mul3A_19 : i32 to vector<16xi32>
    %mul3A_21 = arith.muli %get3A_18, %mul3A_20 : vector<16xi32>
    %get3A_22 = arith.constant 16 : index
    %get3A_23 = tpu.vector_load %arg7[%get3A_22] {strides = array<i32>} : memref<512xi32, #tpu.memory_space<vmem>>, vector<16xi32>,
    %add3A_24 = arith.addi %mul3A_21, %get3A_23 : vector<16xi32>
    %gather3A_25 = tpu.vector_load_idx %arg8[%add3A_24] : memref<64xf32, #tpu.memory_space<vmem>>[vector<16xi32>], vector<16xf32>,
    %swap3A_26 = arith.constant 16 : index
    %swap3A_27 = tpu.vector_load %arg9[%swap3A_26] {strides = array<i32>} : memref<512xf32, #tpu.memory_space<vmem>>, vector<16xf32>,
    tpu.vector_store %arg9[%swap3A_26], %gather3A_25 {strides = array<i32>} : memref<512xf32, #tpu.memory_space<vmem>>, vector<16xf32>,
    %get3A_28 = arith.constant 32 : index
    %get3A_29 = tpu.vector_load %arg6[%get3A_28] {strides = array<i32>} : memref<512xi32, #tpu.memory_space<vmem>>, vector<16xi32>,
    %mul3A_30 = arith.constant 11 : i32
    %mul3A_31 = vector.broadcast %mul3A_30 : i32 to vector<16xi32>
    %mul3A_32 = arith.muli %get3A_29, %mul3A_31 : vector<16xi32>
    %get3A_33 = arith.constant 32 : index
    %get3A_34 = tpu.vector_load %arg7[%get3A_33] {strides = array<i32>} : memref<512xi32, #tpu.memory_space<vmem>>, vector<16xi32>,
    %add3A_35 = arith.addi %mul3A_32, %get3A_34 : vector<16xi32>
    %gather3A_36 = tpu.vector_load_idx %arg8[%add3A_35] : memref<64xf32, #tpu.memory_space<vmem>>[vector<16xi32>], vector<16xf32>,
    %swap3A_37 = arith.constant 32 : index
    %swap3A_38 = tpu.vector_load %arg9[%swap3A_37] {strides = array<i32>} : memref<512xf32, #tpu.memory_space<vmem>>, vector<16xf32>,
    tpu.vector_store %arg9[%swap3A_37], %gather3A_36 {strides = array<i32>} : memref<512xf32, #tpu.memory_space<vmem>>, vector<16xf32>,
    %get3A_39 = arith.constant 48 : index
    %get3A_40 = tpu.vector_load %arg6[%get3A_39] {strides = array<i32>} : memref<512xi32, #tpu.memory_space<vmem>>, vector<16xi32>,
    %mul3A_41 = arith.constant 11 : i32
    %mul3A_42 = vector.broadcast %mul3A_41 : i32 to vector<16xi32>
    %mul3A_43 = arith.muli %get3A_40, %mul3A_42 : vector<16xi32>
    %get3A_44 = arith.constant 48 : index
    %get3A_45 = tpu.vector_load %arg7[%get3A_44] {strides = array<i32>} : memref<512xi32, #tpu.memory_space<vmem>>, vector<16xi32>,
    %add3A_46 = arith.addi %mul3A_43, %get3A_45 : vector<16xi32>
    %gather3A_47 = tpu.vector_load_idx %arg8[%add3A_46] : memref<64xf32, #tpu.memory_space<vmem>>[vector<16xi32>], vector<16xf32>,
    %swap3A_48 = arith.constant 48 : index
    %swap3A_49 = tpu.vector_load %arg9[%swap3A_48] {strides = array<i32>} : memref<512xf32, #tpu.memory_space<vmem>>, vector<16xf32>,
    tpu.vector_store %arg9[%swap3A_48], %gather3A_47 {strides = array<i32>} : memref<512xf32, #tpu.memory_space<vmem>>, vector<16xf32>,
    %get3A_50 = arith.constant 64 : index
    %get3A_51 = tpu.vector_load %arg6[%get3A_50] {strides = array<i32>} : memref<512xi32, #tpu.memory_space<vmem>>, vector<16xi32>,
    %mul3A_52 = arith.constant 11 : i32
    %mul3A_53 = vector.broadcast %mul3A_52 : i32 to vector<16xi32>
    %mul3A_54 = arith.muli %get3A_51, %mul3A_53 : vector<16xi32>
    %get3A_55 = arith.constant 64 : index
    %get3A_56 = tpu.vector_load %arg7[%get3A_55] {strides = array<i32>} : memref<512xi32, #tpu.memory_space<vmem>>, vector<16xi32>,
    %add3A_57 = arith.addi %mul3A_54, %get3A_56 : vector<16xi32>
    %gather3A_58 = tpu.vector_load_idx %arg8[%add3A_57] : memref<64xf32, #tpu.memory_space<vmem>>[vector<16xi32>], vector<16xf32>,
    %swap3A_59 = arith.constant 64 : index
    %swap3A_60 = tpu.vector_load %arg9[%swap3A_59] {strides = array<i32>} : memref<512xf32, #tpu.memory_space<vmem>>, vector<16xf32>,
    tpu.vector_store %arg9[%swap3A_59], %gather3A_58 {strides = array<i32>} : memref<512xf32, #tpu.memory_space<vmem>>, vector<16xf32>,
    %get3A_61 = arith.constant 80 : index
    %get3A_62 = tpu.vector_load %arg6[%get3A_61] {strides = array<i32>} : memref<512xi32, #tpu.memory_space<vmem>>, vector<16xi32>,
    %mul3A_63 = arith.constant 11 : i32
    %mul3A_64 = vector.broadcast %mul3A_63 : i32 to vector<16xi32>
    %mul3A_65 = arith.muli %get3A_62, %mul3A_64 : vector<16xi32>
    %get3A_66 = arith.constant 80 : index
    %get3A_67 = tpu.vector_load %arg7[%get3A_66] {strides = array<i32>} : memref<512xi32, #tpu.memory_space<vmem>>, vector<16xi32>,
    %add3A_68 = arith.addi %mul3A_65, %get3A_67 : vector<16xi32>
    %gather3A_69 = tpu.vector_load_idx %arg8[%add3A_68] : memref<64xf32, #tpu.memory_space<vmem>>[vector<16xi32>], vector<16xf32>,
    %swap3A_70 = arith.constant 80 : index
    %swap3A_71 = tpu.vector_load %arg9[%swap3A_70] {strides = array<i32>} : memref<512xf32, #tpu.memory_space<vmem>>, vector<16xf32>,
    tpu.vector_store %arg9[%swap3A_70], %gather3A_69 {strides = array<i32>} : memref<512xf32, #tpu.memory_space<vmem>>, vector<16xf32>,
    %get3A_72 = arith.constant 96 : index
    %get3A_73 = tpu.vector_load %arg6[%get3A_72] {strides = array<i32>} : memref<512xi32, #tpu.memory_space<vmem>>, vector<16xi32>,
    %mul3A_74 = arith.constant 11 : i32
    %mul3A_75 = vector.broadcast %mul3A_74 : i32 to vector<16xi32>
    %mul3A_76 = arith.muli %get3A_73, %mul3A_75 : vector<16xi32>
    %get3A_77 = arith.constant 96 : index
    %get3A_78 = tpu.vector_load %arg7[%get3A_77] {strides = array<i32>} : memref<512xi32, #tpu.memory_space<vmem>>, vector<16xi32>,
    %add3A_79 = arith.addi %mul3A_76, %get3A_78 : vector<16xi32>
    %gather3A_80 = tpu.vector_load_idx %arg8[%add3A_79] : memref<64xf32, #tpu.memory_space<vmem>>[vector<16xi32>], vector<16xf32>,
    %swap3A_81 = arith.constant 96 : index
    %swap3A_82 = tpu.vector_load %arg9[%swap3A_81] {strides = array<i32>} : memref<512xf32, #tpu.memory_space<vmem>>, vector<16xf32>,
    tpu.vector_store %arg9[%swap3A_81], %gather3A_80 {strides = array<i32>} : memref<512xf32, #tpu.memory_space<vmem>>, vector<16xf32>,
    %get3A_83 = arith.constant 112 : index
    %get3A_84 = tpu.vector_load %arg6[%get3A_83] {strides = array<i32>} : memref<512xi32, #tpu.memory_space<vmem>>, vector<16xi32>,
    %mul3A_85 = arith.constant 11 : i32
    %mul3A_86 = vector.broadcast %mul3A_85 : i32 to vector<16xi32>
    %mul3A_87 = arith.muli %get3A_84, %mul3A_86 : vector<16xi32>
    %get3A_88 = arith.constant 112 : index
    %get3A_89 = tpu.vector_load %arg7[%get3A_88] {strides = array<i32>} : memref<512xi32, #tpu.memory_space<vmem>>, vector<16xi32>,
    %add3A_90 = arith.addi %mul3A_87, %get3A_89 : vector<16xi32>
    %gather3A_91 = tpu.vector_load_idx %arg8[%add3A_90] : memref<64xf32, #tpu.memory_space<vmem>>[vector<16xi32>], vector<16xf32>,
    %swap3A_92 = arith.constant 112 : index
    %swap3A_93 = tpu.vector_load %arg9[%swap3A_92] {strides = array<i32>} : memref<512xf32, #tpu.memory_space<vmem>>, vector<16xf32>,
    tpu.vector_store %arg9[%swap3A_92], %gather3A_91 {strides = array<i32>} : memref<512xf32, #tpu.memory_space<vmem>>, vector<16xf32>,
    %get3A_94 = arith.constant 128 : index
    %get3A_95 = tpu.vector_load %arg6[%get3A_94] {strides = array<i32>} : memref<512xi32, #tpu.memory_space<vmem>>, vector<16xi32>,
    %mul3A_96 = arith.constant 11 : i32
    %mul3A_97 = vector.broadcast %mul3A_96 : i32 to vector<16xi32>
    %mul3A_98 = arith.muli %get3A_95, %mul3A_97 : vector<16xi32>
    %get3A_99 = arith.constant 128 : index
    %get3A_100 = tpu.vector_load %arg7[%get3A_99] {strides = array<i32>} : memref<512xi32, #tpu.memory_space<vmem>>, vector<16xi32>,
    %add3A_101 = arith.addi %mul3A_98, %get3A_100 : vector<16xi32>
    %gather3A_102 = tpu.vector_load_idx %arg8[%add3A_101] : memref<64xf32, #tpu.memory_space<vmem>>[vector<16xi32>], vector<16xf32>,
    %swap3A_103 = arith.constant 128 : index
    %swap3A_104 = tpu.vector_load %arg9[%swap3A_103] {strides = array<i32>} : memref<512xf32, #tpu.memory_space<vmem>>, vector<16xf32>,
    tpu.vector_store %arg9[%swap3A_103], %gather3A_102 {strides = array<i32>} : memref<512xf32, #tpu.memory_space<vmem>>, vector<16xf32>,
    %get3A_105 = arith.constant 144 : index
    %get3A_106 = tpu.vector_load %arg6[%get3A_105] {strides = array<i32>} : memref<512xi32, #tpu.memory_space<vmem>>, vector<16xi32>,
    %mul3A_107 = arith.constant 11 : i32
    %mul3A_108 = vector.broadcast %mul3A_107 : i32 to vector<16xi32>
    %mul3A_109 = arith.muli %get3A_106, %mul3A_108 : vector<16xi32>
    %get3A_110 = arith.constant 144 : index
    %get3A_111 = tpu.vector_load %arg7[%get3A_110] {strides = array<i32>} : memref<512xi32, #tpu.memory_space<vmem>>, vector<16xi32>,
    %add3A_112 = arith.addi %mul3A_109, %get3A_111 : vector<16xi32>
    %gather3A_113 = tpu.vector_load_idx %arg8[%add3A_112] : memref<64xf32, #tpu.memory_space<vmem>>[vector<16xi32>], vector<16xf32>,
    %swap3A_114 = arith.constant 144 : index
    %swap3A_115 = tpu.vector_load %arg9[%swap3A_114] {strides = array<i32>} : memref<512xf32, #tpu.memory_space<vmem>>, vector<16xf32>,
    tpu.vector_store %arg9[%swap3A_114], %gather3A_113 {strides = array<i32>} : memref<512xf32, #tpu.memory_space<vmem>>, vector<16xf32>,
    %get3A_116 = arith.constant 160 : index
    %get3A_117 = tpu.vector_load %arg6[%get3A_116] {strides = array<i32>} : memref<512xi32, #tpu.memory_space<vmem>>, vector<16xi32>,
    %mul3A_118 = arith.constant 11 : i32
    %mul3A_119 = vector.broadcast %mul3A_118 : i32 to vector<16xi32>
    %mul3A_120 = arith.muli %get3A_117, %mul3A_119 : vector<16xi32>
    %get3A_121 = arith.constant 160 : index
    %get3A_122 = tpu.vector_load %arg7[%get3A_121] {strides = array<i32>} : memref<512xi32, #tpu.memory_space<vmem>>, vector<16xi32>,
    %add3A_123 = arith.addi %mul3A_120, %get3A_122 : vector<16xi32>
    %gather3A_124 = tpu.vector_load_idx %arg8[%add3A_123] : memref<64xf32, #tpu.memory_space<vmem>>[vector<16xi32>], vector<16xf32>,
    %swap3A_125 = arith.constant 160 : index
    %swap3A_126 = tpu.vector_load %arg9[%swap3A_125] {strides = array<i32>} : memref<512xf32, #tpu.memory_space<vmem>>, vector<16xf32>,
    tpu.vector_store %arg9[%swap3A_125], %gather3A_124 {strides = array<i32>} : memref<512xf32, #tpu.memory_space<vmem>>, vector<16xf32>,
    %get3A_127 = arith.constant 176 : index
    %get3A_128 = tpu.vector_load %arg6[%get3A_127] {strides = array<i32>} : memref<512xi32, #tpu.memory_space<vmem>>, vector<16xi32>,
    %mul3A_129 = arith.constant 11 : i32
    %mul3A_130 = vector.broadcast %mul3A_129 : i32 to vector<16xi32>
    %mul3A_131 = arith.muli %get3A_128, %mul3A_130 : vector<16xi32>
    %get3A_132 = arith.constant 176 : index
    %get3A_133 = tpu.vector_load %arg7[%get3A_132] {strides = array<i32>} : memref<512xi32, #tpu.memory_space<vmem>>, vector<16xi32>,
    %add3A_134 = arith.addi %mul3A_131, %get3A_133 : vector<16xi32>
    %gather3A_135 = tpu.vector_load_idx %arg8[%add3A_134] : memref<64xf32, #tpu.memory_space<vmem>>[vector<16xi32>], vector<16xf32>,
    %swap3A_136 = arith.constant 176 : index
    %swap3A_137 = tpu.vector_load %arg9[%swap3A_136] {strides = array<i32>} : memref<512xf32, #tpu.memory_space<vmem>>, vector<16xf32>,
    tpu.vector_store %arg9[%swap3A_136], %gather3A_135 {strides = array<i32>} : memref<512xf32, #tpu.memory_space<vmem>>, vector<16xf32>,
    %get3A_138 = arith.constant 192 : index
    %get3A_139 = tpu.vector_load %arg6[%get3A_138] {strides = array<i32>} : memref<512xi32, #tpu.memory_space<vmem>>, vector<16xi32>,
    %mul3A_140 = arith.constant 11 : i32
    %mul3A_141 = vector.broadcast %mul3A_140 : i32 to vector<16xi32>
    %mul3A_142 = arith.muli %get3A_139, %mul3A_141 : vector<16xi32>
    %get3A_143 = arith.constant 192 : index
    %get3A_144 = tpu.vector_load %arg7[%get3A_143] {strides = array<i32>} : memref<512xi32, #tpu.memory_space<vmem>>, vector<16xi32>,
    %add3A_145 = arith.addi %mul3A_142, %get3A_144 : vector<16xi32>
    %gather3A_146 = tpu.vector_load_idx %arg8[%add3A_145] : memref<64xf32, #tpu.memory_space<vmem>>[vector<16xi32>], vector<16xf32>,
    %swap3A_147 = arith.constant 192 : index
    %swap3A_148 = tpu.vector_load %arg9[%swap3A_147] {strides = array<i32>} : memref<512xf32, #tpu.memory_space<vmem>>, vector<16xf32>,
    tpu.vector_store %arg9[%swap3A_147], %gather3A_146 {strides = array<i32>} : memref<512xf32, #tpu.memory_space<vmem>>, vector<16xf32>,
    %get3A_149 = arith.constant 208 : index
    %get3A_150 = tpu.vector_load %arg6[%get3A_149] {strides = array<i32>} : memref<512xi32, #tpu.memory_space<vmem>>, vector<16xi32>,
    %mul3A_151 = arith.constant 11 : i32
    %mul3A_152 = vector.broadcast %mul3A_151 : i32 to vector<16xi32>
    %mul3A_153 = arith.muli %get3A_150, %mul3A_152 : vector<16xi32>
    %get3A_154 = arith.constant 208 : index
    %get3A_155 = tpu.vector_load %arg7[%get3A_154] {strides = array<i32>} : memref<512xi32, #tpu.memory_space<vmem>>, vector<16xi32>,
    %add3A_156 = arith.addi %mul3A_153, %get3A_155 : vector<16xi32>
    %gather3A_157 = tpu.vector_load_idx %arg8[%add3A_156] : memref<64xf32, #tpu.memory_space<vmem>>[vector<16xi32>], vector<16xf32>,
    %swap3A_158 = arith.constant 208 : index
    %swap3A_159 = tpu.vector_load %arg9[%swap3A_158] {strides = array<i32>} : memref<512xf32, #tpu.memory_space<vmem>>, vector<16xf32>,
    tpu.vector_store %arg9[%swap3A_158], %gather3A_157 {strides = array<i32>} : memref<512xf32, #tpu.memory_space<vmem>>, vector<16xf32>,
    %get3A_160 = arith.constant 224 : index
    %get3A_161 = tpu.vector_load %arg6[%get3A_160] {strides = array<i32>} : memref<512xi32, #tpu.memory_space<vmem>>, vector<16xi32>,
    %mul3A_162 = arith.constant 11 : i32
    %mul3A_163 = vector.broadcast %mul3A_162 : i32 to vector<16xi32>
    %mul3A_164 = arith.muli %get3A_161, %mul3A_163 : vector<16xi32>
    %get3A_165 = arith.constant 224 : index
    %get3A_166 = tpu.vector_load %arg7[%get3A_165] {strides = array<i32>} : memref<512xi32, #tpu.memory_space<vmem>>, vector<16xi32>,
    %add3A_167 = arith.addi %mul3A_164, %get3A_166 : vector<16xi32>
    %gather3A_168 = tpu.vector_load_idx %arg8[%add3A_167] : memref<64xf32, #tpu.memory_space<vmem>>[vector<16xi32>], vector<16xf32>,
    %swap3A_169 = arith.constant 224 : index
    %swap3A_170 = tpu.vector_load %arg9[%swap3A_169] {strides = array<i32>} : memref<512xf32, #tpu.memory_space<vmem>>, vector<16xf32>,
    tpu.vector_store %arg9[%swap3A_169], %gather3A_168 {strides = array<i32>} : memref<512xf32, #tpu.memory_space<vmem>>, vector<16xf32>,
    %get3A_171 = arith.constant 240 : index
    %get3A_172 = tpu.vector_load %arg6[%get3A_171] {strides = array<i32>} : memref<512xi32, #tpu.memory_space<vmem>>, vector<16xi32>,
    %mul3A_173 = arith.constant 11 : i32
    %mul3A_174 = vector.broadcast %mul3A_173 : i32 to vector<16xi32>
    %mul3A_175 = arith.muli %get3A_172, %mul3A_174 : vector<16xi32>
    %get3A_176 = arith.constant 240 : index
    %get3A_177 = tpu.vector_load %arg7[%get3A_176] {strides = array<i32>} : memref<512xi32, #tpu.memory_space<vmem>>, vector<16xi32>,
    %add3A_178 = arith.addi %mul3A_175, %get3A_177 : vector<16xi32>
    %gather3A_179 = tpu.vector_load_idx %arg8[%add3A_178] : memref<64xf32, #tpu.memory_space<vmem>>[vector<16xi32>], vector<16xf32>,
    %swap3A_180 = arith.constant 240 : index
    %swap3A_181 = tpu.vector_load %arg9[%swap3A_180] {strides = array<i32>} : memref<512xf32, #tpu.memory_space<vmem>>, vector<16xf32>,
    tpu.vector_store %arg9[%swap3A_180], %gather3A_179 {strides = array<i32>} : memref<512xf32, #tpu.memory_space<vmem>>, vector<16xf32>,
    %dma_start3A_182 = arith.constant 0 : i32
    %dma_start3A_183 = tpu.memref_slice %arg9[%dma_start3A_182] : memref<512xf32, #tpu.memory_space<vmem>> -> memref<256xf32, #tpu.memory_space<vmem>>
    %dma_start3A_184 = tpu.memref_slice %arg5[%mul3A_2] : memref<16384xf32, #tpu.memory_space<hbm>> -> memref<256xf32, #tpu.memory_space<hbm>>
    %dma_start3A_185 = tpu.memref_slice %arg5[%mul3A_2] : memref<16384xf32, #tpu.memory_space<hbm>> -> memref<256xf32, #tpu.memory_space<hbm>>
    %dma_start3A_186 = arith.constant 0 : i32
    %dma_start3A_187 = tpu.memref_slice %arg9[%dma_start3A_186] : memref<512xf32, #tpu.memory_space<vmem>> -> memref<256xf32, #tpu.memory_space<vmem>>
    tpu.enqueue_dma source(%dma_start3A_187 : memref<256xf32, #tpu.memory_space<vmem>>) target(%dma_start3A_185 : memref<256xf32, #tpu.memory_space<hbm>>) target_semaphore(%arg10 : memref<!tpu.dma_semaphore, #tpu.memory_space<semaphore_mem>>)
    %get3A_188 = arith.constant 256 : index
    %get3A_189 = tpu.vector_load %arg6[%get3A_188] {strides = array<i32>} : memref<512xi32, #tpu.memory_space<vmem>>, vector<16xi32>,
    %mul3A_190 = arith.constant 11 : i32
    %mul3A_191 = vector.broadcast %mul3A_190 : i32 to vector<16xi32>
    %mul3A_192 = arith.muli %get3A_189, %mul3A_191 : vector<16xi32>
    %get3A_193 = arith.constant 256 : index
    %get3A_194 = tpu.vector_load %arg7[%get3A_193] {strides = array<i32>} : memref<512xi32, #tpu.memory_space<vmem>>, vector<16xi32>,
    %add3A_195 = arith.addi %mul3A_192, %get3A_194 : vector<16xi32>
    %gather3A_196 = tpu.vector_load_idx %arg8[%add3A_195] : memref<64xf32, #tpu.memory_space<vmem>>[vector<16xi32>], vector<16xf32>,
    %swap3A_197 = arith.constant 256 : index
    %swap3A_198 = tpu.vector_load %arg9[%swap3A_197] {strides = array<i32>} : memref<512xf32, #tpu.memory_space<vmem>>, vector<16xf32>,
    tpu.vector_store %arg9[%swap3A_197], %gather3A_196 {strides = array<i32>} : memref<512xf32, #tpu.memory_space<vmem>>, vector<16xf32>,
    %get3A_199 = arith.constant 272 : index
    %get3A_200 = tpu.vector_load %arg6[%get3A_199] {strides = array<i32>} : memref<512xi32, #tpu.memory_space<vmem>>, vector<16xi32>,
    %mul3A_201 = arith.constant 11 : i32
    %mul3A_202 = vector.broadcast %mul3A_201 : i32 to vector<16xi32>
    %mul3A_203 = arith.muli %get3A_200, %mul3A_202 : vector<16xi32>
    %get3A_204 = arith.constant 272 : index
    %get3A_205 = tpu.vector_load %arg7[%get3A_204] {strides = array<i32>} : memref<512xi32, #tpu.memory_space<vmem>>, vector<16xi32>,
    %add3A_206 = arith.addi %mul3A_203, %get3A_205 : vector<16xi32>
    %gather3A_207 = tpu.vector_load_idx %arg8[%add3A_206] : memref<64xf32, #tpu.memory_space<vmem>>[vector<16xi32>], vector<16xf32>,
    %swap3A_208 = arith.constant 272 : index
    %swap3A_209 = tpu.vector_load %arg9[%swap3A_208] {strides = array<i32>} : memref<512xf32, #tpu.memory_space<vmem>>, vector<16xf32>,
    tpu.vector_store %arg9[%swap3A_208], %gather3A_207 {strides = array<i32>} : memref<512xf32, #tpu.memory_space<vmem>>, vector<16xf32>,
    %get3A_210 = arith.constant 288 : index
    %get3A_211 = tpu.vector_load %arg6[%get3A_210] {strides = array<i32>} : memref<512xi32, #tpu.memory_space<vmem>>, vector<16xi32>,
    %mul3A_212 = arith.constant 11 : i32
    %mul3A_213 = vector.broadcast %mul3A_212 : i32 to vector<16xi32>
    %mul3A_214 = arith.muli %get3A_211, %mul3A_213 : vector<16xi32>
    %get3A_215 = arith.constant 288 : index
    %get3A_216 = tpu.vector_load %arg7[%get3A_215] {strides = array<i32>} : memref<512xi32, #tpu.memory_space<vmem>>, vector<16xi32>,
    %add3A_217 = arith.addi %mul3A_214, %get3A_216 : vector<16xi32>
    %gather3A_218 = tpu.vector_load_idx %arg8[%add3A_217] : memref<64xf32, #tpu.memory_space<vmem>>[vector<16xi32>], vector<16xf32>,
    %swap3A_219 = arith.constant 288 : index
    %swap3A_220 = tpu.vector_load %arg9[%swap3A_219] {strides = array<i32>} : memref<512xf32, #tpu.memory_space<vmem>>, vector<16xf32>,
    tpu.vector_store %arg9[%swap3A_219], %gather3A_218 {strides = array<i32>} : memref<512xf32, #tpu.memory_space<vmem>>, vector<16xf32>,
    %get3A_221 = arith.constant 304 : index
    %get3A_222 = tpu.vector_load %arg6[%get3A_221] {strides = array<i32>} : memref<512xi32, #tpu.memory_space<vmem>>, vector<16xi32>,
    %mul3A_223 = arith.constant 11 : i32
    %mul3A_224 = vector.broadcast %mul3A_223 : i32 to vector<16xi32>
    %mul3A_225 = arith.muli %get3A_222, %mul3A_224 : vector<16xi32>
    %get3A_226 = arith.constant 304 : index
    %get3A_227 = tpu.vector_load %arg7[%get3A_226] {strides = array<i32>} : memref<512xi32, #tpu.memory_space<vmem>>, vector<16xi32>,
    %add3A_228 = arith.addi %mul3A_225, %get3A_227 : vector<16xi32>
    %gather3A_229 = tpu.vector_load_idx %arg8[%add3A_228] : memref<64xf32, #tpu.memory_space<vmem>>[vector<16xi32>], vector<16xf32>,
    %swap3A_230 = arith.constant 304 : index
    %swap3A_231 = tpu.vector_load %arg9[%swap3A_230] {strides = array<i32>} : memref<512xf32, #tpu.memory_space<vmem>>, vector<16xf32>,
    tpu.vector_store %arg9[%swap3A_230], %gather3A_229 {strides = array<i32>} : memref<512xf32, #tpu.memory_space<vmem>>, vector<16xf32>,
    %get3A_232 = arith.constant 320 : index
    %get3A_233 = tpu.vector_load %arg6[%get3A_232] {strides = array<i32>} : memref<512xi32, #tpu.memory_space<vmem>>, vector<16xi32>,
    %mul3A_234 = arith.constant 11 : i32
    %mul3A_235 = vector.broadcast %mul3A_234 : i32 to vector<16xi32>
    %mul3A_236 = arith.muli %get3A_233, %mul3A_235 : vector<16xi32>
    %get3A_237 = arith.constant 320 : index
    %get3A_238 = tpu.vector_load %arg7[%get3A_237] {strides = array<i32>} : memref<512xi32, #tpu.memory_space<vmem>>, vector<16xi32>,
    %add3A_239 = arith.addi %mul3A_236, %get3A_238 : vector<16xi32>
    %gather3A_240 = tpu.vector_load_idx %arg8[%add3A_239] : memref<64xf32, #tpu.memory_space<vmem>>[vector<16xi32>], vector<16xf32>,
    %swap3A_241 = arith.constant 320 : index
    %swap3A_242 = tpu.vector_load %arg9[%swap3A_241] {strides = array<i32>} : memref<512xf32, #tpu.memory_space<vmem>>, vector<16xf32>,
    tpu.vector_store %arg9[%swap3A_241], %gather3A_240 {strides = array<i32>} : memref<512xf32, #tpu.memory_space<vmem>>, vector<16xf32>,
    %get3A_243 = arith.constant 336 : index
    %get3A_244 = tpu.vector_load %arg6[%get3A_243] {strides = array<i32>} : memref<512xi32, #tpu.memory_space<vmem>>, vector<16xi32>,
    %mul3A_245 = arith.constant 11 : i32
    %mul3A_246 = vector.broadcast %mul3A_245 : i32 to vector<16xi32>
    %mul3A_247 = arith.muli %get3A_244, %mul3A_246 : vector<16xi32>
    %get3A_248 = arith.constant 336 : index
    %get3A_249 = tpu.vector_load %arg7[%get3A_248] {strides = array<i32>} : memref<512xi32, #tpu.memory_space<vmem>>, vector<16xi32>,
    %add3A_250 = arith.addi %mul3A_247, %get3A_249 : vector<16xi32>
    %gather3A_251 = tpu.vector_load_idx %arg8[%add3A_250] : memref<64xf32, #tpu.memory_space<vmem>>[vector<16xi32>], vector<16xf32>,
    %swap3A_252 = arith.constant 336 : index
    %swap3A_253 = tpu.vector_load %arg9[%swap3A_252] {strides = array<i32>} : memref<512xf32, #tpu.memory_space<vmem>>, vector<16xf32>,
    tpu.vector_store %arg9[%swap3A_252], %gather3A_251 {strides = array<i32>} : memref<512xf32, #tpu.memory_space<vmem>>, vector<16xf32>,
    %get3A_254 = arith.constant 352 : index
    %get3A_255 = tpu.vector_load %arg6[%get3A_254] {strides = array<i32>} : memref<512xi32, #tpu.memory_space<vmem>>, vector<16xi32>,
    %mul3A_256 = arith.constant 11 : i32
    %mul3A_257 = vector.broadcast %mul3A_256 : i32 to vector<16xi32>
    %mul3A_258 = arith.muli %get3A_255, %mul3A_257 : vector<16xi32>
    %get3A_259 = arith.constant 352 : index
    %get3A_260 = tpu.vector_load %arg7[%get3A_259] {strides = array<i32>} : memref<512xi32, #tpu.memory_space<vmem>>, vector<16xi32>,
    %add3A_261 = arith.addi %mul3A_258, %get3A_260 : vector<16xi32>
    %gather3A_262 = tpu.vector_load_idx %arg8[%add3A_261] : memref<64xf32, #tpu.memory_space<vmem>>[vector<16xi32>], vector<16xf32>,
    %swap3A_263 = arith.constant 352 : index
    %swap3A_264 = tpu.vector_load %arg9[%swap3A_263] {strides = array<i32>} : memref<512xf32, #tpu.memory_space<vmem>>, vector<16xf32>,
    tpu.vector_store %arg9[%swap3A_263], %gather3A_262 {strides = array<i32>} : memref<512xf32, #tpu.memory_space<vmem>>, vector<16xf32>,
    %get3A_265 = arith.constant 368 : index
    %get3A_266 = tpu.vector_load %arg6[%get3A_265] {strides = array<i32>} : memref<512xi32, #tpu.memory_space<vmem>>, vector<16xi32>,
    %mul3A_267 = arith.constant 11 : i32
    %mul3A_268 = vector.broadcast %mul3A_267 : i32 to vector<16xi32>
    %mul3A_269 = arith.muli %get3A_266, %mul3A_268 : vector<16xi32>
    %get3A_270 = arith.constant 368 : index
    %get3A_271 = tpu.vector_load %arg7[%get3A_270] {strides = array<i32>} : memref<512xi32, #tpu.memory_space<vmem>>, vector<16xi32>,
    %add3A_272 = arith.addi %mul3A_269, %get3A_271 : vector<16xi32>
    %gather3A_273 = tpu.vector_load_idx %arg8[%add3A_272] : memref<64xf32, #tpu.memory_space<vmem>>[vector<16xi32>], vector<16xf32>,
    %swap3A_274 = arith.constant 368 : index
    %swap3A_275 = tpu.vector_load %arg9[%swap3A_274] {strides = array<i32>} : memref<512xf32, #tpu.memory_space<vmem>>, vector<16xf32>,
    tpu.vector_store %arg9[%swap3A_274], %gather3A_273 {strides = array<i32>} : memref<512xf32, #tpu.memory_space<vmem>>, vector<16xf32>,
    %get3A_276 = arith.constant 384 : index
    %get3A_277 = tpu.vector_load %arg6[%get3A_276] {strides = array<i32>} : memref<512xi32, #tpu.memory_space<vmem>>, vector<16xi32>,
    %mul3A_278 = arith.constant 11 : i32
    %mul3A_279 = vector.broadcast %mul3A_278 : i32 to vector<16xi32>
    %mul3A_280 = arith.muli %get3A_277, %mul3A_279 : vector<16xi32>
    %get3A_281 = arith.constant 384 : index
    %get3A_282 = tpu.vector_load %arg7[%get3A_281] {strides = array<i32>} : memref<512xi32, #tpu.memory_space<vmem>>, vector<16xi32>,
    %add3A_283 = arith.addi %mul3A_280, %get3A_282 : vector<16xi32>
    %gather3A_284 = tpu.vector_load_idx %arg8[%add3A_283] : memref<64xf32, #tpu.memory_space<vmem>>[vector<16xi32>], vector<16xf32>,
    %swap3A_285 = arith.constant 384 : index
    %swap3A_286 = tpu.vector_load %arg9[%swap3A_285] {strides = array<i32>} : memref<512xf32, #tpu.memory_space<vmem>>, vector<16xf32>,
    tpu.vector_store %arg9[%swap3A_285], %gather3A_284 {strides = array<i32>} : memref<512xf32, #tpu.memory_space<vmem>>, vector<16xf32>,
    %get3A_287 = arith.constant 400 : index
    %get3A_288 = tpu.vector_load %arg6[%get3A_287] {strides = array<i32>} : memref<512xi32, #tpu.memory_space<vmem>>, vector<16xi32>,
    %mul3A_289 = arith.constant 11 : i32
    %mul3A_290 = vector.broadcast %mul3A_289 : i32 to vector<16xi32>
    %mul3A_291 = arith.muli %get3A_288, %mul3A_290 : vector<16xi32>
    %get3A_292 = arith.constant 400 : index
    %get3A_293 = tpu.vector_load %arg7[%get3A_292] {strides = array<i32>} : memref<512xi32, #tpu.memory_space<vmem>>, vector<16xi32>,
    %add3A_294 = arith.addi %mul3A_291, %get3A_293 : vector<16xi32>
    %gather3A_295 = tpu.vector_load_idx %arg8[%add3A_294] : memref<64xf32, #tpu.memory_space<vmem>>[vector<16xi32>], vector<16xf32>,
    %swap3A_296 = arith.constant 400 : index
    %swap3A_297 = tpu.vector_load %arg9[%swap3A_296] {strides = array<i32>} : memref<512xf32, #tpu.memory_space<vmem>>, vector<16xf32>,
    tpu.vector_store %arg9[%swap3A_296], %gather3A_295 {strides = array<i32>} : memref<512xf32, #tpu.memory_space<vmem>>, vector<16xf32>,
    %get3A_298 = arith.constant 416 : index
    %get3A_299 = tpu.vector_load %arg6[%get3A_298] {strides = array<i32>} : memref<512xi32, #tpu.memory_space<vmem>>, vector<16xi32>,
    %mul3A_300 = arith.constant 11 : i32
    %mul3A_301 = vector.broadcast %mul3A_300 : i32 to vector<16xi32>
    %mul3A_302 = arith.muli %get3A_299, %mul3A_301 : vector<16xi32>
    %get3A_303 = arith.constant 416 : index
    %get3A_304 = tpu.vector_load %arg7[%get3A_303] {strides = array<i32>} : memref<512xi32, #tpu.memory_space<vmem>>, vector<16xi32>,
    %add3A_305 = arith.addi %mul3A_302, %get3A_304 : vector<16xi32>
    %gather3A_306 = tpu.vector_load_idx %arg8[%add3A_305] : memref<64xf32, #tpu.memory_space<vmem>>[vector<16xi32>], vector<16xf32>,
    %swap3A_307 = arith.constant 416 : index
    %swap3A_308 = tpu.vector_load %arg9[%swap3A_307] {strides = array<i32>} : memref<512xf32, #tpu.memory_space<vmem>>, vector<16xf32>,
    tpu.vector_store %arg9[%swap3A_307], %gather3A_306 {strides = array<i32>} : memref<512xf32, #tpu.memory_space<vmem>>, vector<16xf32>,
    %get3A_309 = arith.constant 432 : index
    %get3A_310 = tpu.vector_load %arg6[%get3A_309] {strides = array<i32>} : memref<512xi32, #tpu.memory_space<vmem>>, vector<16xi32>,
    %mul3A_311 = arith.constant 11 : i32
    %mul3A_312 = vector.broadcast %mul3A_311 : i32 to vector<16xi32>
    %mul3A_313 = arith.muli %get3A_310, %mul3A_312 : vector<16xi32>
    %get3A_314 = arith.constant 432 : index
    %get3A_315 = tpu.vector_load %arg7[%get3A_314] {strides = array<i32>} : memref<512xi32, #tpu.memory_space<vmem>>, vector<16xi32>,
    %add3A_316 = arith.addi %mul3A_313, %get3A_315 : vector<16xi32>
    %gather3A_317 = tpu.vector_load_idx %arg8[%add3A_316] : memref<64xf32, #tpu.memory_space<vmem>>[vector<16xi32>], vector<16xf32>,
    %swap3A_318 = arith.constant 432 : index
    %swap3A_319 = tpu.vector_load %arg9[%swap3A_318] {strides = array<i32>} : memref<512xf32, #tpu.memory_space<vmem>>, vector<16xf32>,
    tpu.vector_store %arg9[%swap3A_318], %gather3A_317 {strides = array<i32>} : memref<512xf32, #tpu.memory_space<vmem>>, vector<16xf32>,
    %get3A_320 = arith.constant 448 : index
    %get3A_321 = tpu.vector_load %arg6[%get3A_320] {strides = array<i32>} : memref<512xi32, #tpu.memory_space<vmem>>, vector<16xi32>,
    %mul3A_322 = arith.constant 11 : i32
    %mul3A_323 = vector.broadcast %mul3A_322 : i32 to vector<16xi32>
    %mul3A_324 = arith.muli %get3A_321, %mul3A_323 : vector<16xi32>
    %get3A_325 = arith.constant 448 : index
    %get3A_326 = tpu.vector_load %arg7[%get3A_325] {strides = array<i32>} : memref<512xi32, #tpu.memory_space<vmem>>, vector<16xi32>,
    %add3A_327 = arith.addi %mul3A_324, %get3A_326 : vector<16xi32>
    %gather3A_328 = tpu.vector_load_idx %arg8[%add3A_327] : memref<64xf32, #tpu.memory_space<vmem>>[vector<16xi32>], vector<16xf32>,
    %swap3A_329 = arith.constant 448 : index
    %swap3A_330 = tpu.vector_load %arg9[%swap3A_329] {strides = array<i32>} : memref<512xf32, #tpu.memory_space<vmem>>, vector<16xf32>,
    tpu.vector_store %arg9[%swap3A_329], %gather3A_328 {strides = array<i32>} : memref<512xf32, #tpu.memory_space<vmem>>, vector<16xf32>,
    %get3A_331 = arith.constant 464 : index
    %get3A_332 = tpu.vector_load %arg6[%get3A_331] {strides = array<i32>} : memref<512xi32, #tpu.memory_space<vmem>>, vector<16xi32>,
    %mul3A_333 = arith.constant 11 : i32
    %mul3A_334 = vector.broadcast %mul3A_333 : i32 to vector<16xi32>
    %mul3A_335 = arith.muli %get3A_332, %mul3A_334 : vector<16xi32>
    %get3A_336 = arith.constant 464 : index
    %get3A_337 = tpu.vector_load %arg7[%get3A_336] {strides = array<i32>} : memref<512xi32, #tpu.memory_space<vmem>>, vector<16xi32>,
    %add3A_338 = arith.addi %mul3A_335, %get3A_337 : vector<16xi32>
    %gather3A_339 = tpu.vector_load_idx %arg8[%add3A_338] : memref<64xf32, #tpu.memory_space<vmem>>[vector<16xi32>], vector<16xf32>,
    %swap3A_340 = arith.constant 464 : index
    %swap3A_341 = tpu.vector_load %arg9[%swap3A_340] {strides = array<i32>} : memref<512xf32, #tpu.memory_space<vmem>>, vector<16xf32>,
    tpu.vector_store %arg9[%swap3A_340], %gather3A_339 {strides = array<i32>} : memref<512xf32, #tpu.memory_space<vmem>>, vector<16xf32>,
    %get3A_342 = arith.constant 480 : index
    %get3A_343 = tpu.vector_load %arg6[%get3A_342] {strides = array<i32>} : memref<512xi32, #tpu.memory_space<vmem>>, vector<16xi32>,
    %mul3A_344 = arith.constant 11 : i32
    %mul3A_345 = vector.broadcast %mul3A_344 : i32 to vector<16xi32>
    %mul3A_346 = arith.muli %get3A_343, %mul3A_345 : vector<16xi32>
    %get3A_347 = arith.constant 480 : index
    %get3A_348 = tpu.vector_load %arg7[%get3A_347] {strides = array<i32>} : memref<512xi32, #tpu.memory_space<vmem>>, vector<16xi32>,
    %add3A_349 = arith.addi %mul3A_346, %get3A_348 : vector<16xi32>
    %gather3A_350 = tpu.vector_load_idx %arg8[%add3A_349] : memref<64xf32, #tpu.memory_space<vmem>>[vector<16xi32>], vector<16xf32>,
    %swap3A_351 = arith.constant 480 : index
    %swap3A_352 = tpu.vector_load %arg9[%swap3A_351] {strides = array<i32>} : memref<512xf32, #tpu.memory_space<vmem>>, vector<16xf32>,
    tpu.vector_store %arg9[%swap3A_351], %gather3A_350 {strides = array<i32>} : memref<512xf32, #tpu.memory_space<vmem>>, vector<16xf32>,
    %get3A_353 = arith.constant 496 : index
    %get3A_354 = tpu.vector_load %arg6[%get3A_353] {strides = array<i32>} : memref<512xi32, #tpu.memory_space<vmem>>, vector<16xi32>,
    %mul3A_355 = arith.constant 11 : i32
    %mul3A_356 = vector.broadcast %mul3A_355 : i32 to vector<16xi32>
    %mul3A_357 = arith.muli %get3A_354, %mul3A_356 : vector<16xi32>
    %get3A_358 = arith.constant 496 : index
    %get3A_359 = tpu.vector_load %arg7[%get3A_358] {strides = array<i32>} : memref<512xi32, #tpu.memory_space<vmem>>, vector<16xi32>,
    %add3A_360 = arith.addi %mul3A_357, %get3A_359 : vector<16xi32>
    %gather3A_361 = tpu.vector_load_idx %arg8[%add3A_360] : memref<64xf32, #tpu.memory_space<vmem>>[vector<16xi32>], vector<16xf32>,
    %swap3A_362 = arith.constant 496 : index
    %swap3A_363 = tpu.vector_load %arg9[%swap3A_362] {strides = array<i32>} : memref<512xf32, #tpu.memory_space<vmem>>, vector<16xf32>,
    tpu.vector_store %arg9[%swap3A_362], %gather3A_361 {strides = array<i32>} : memref<512xf32, #tpu.memory_space<vmem>>, vector<16xf32>,
    %add3A_364 = arith.constant 256 : i32
    %add3A_365 = arith.addi %mul3A_2, %add3A_364 : i32
    %dma_start3A_366 = arith.constant 256 : i32
    %dma_start3A_367 = tpu.memref_slice %arg9[%dma_start3A_366] : memref<512xf32, #tpu.memory_space<vmem>> -> memref<256xf32, #tpu.memory_space<vmem>>
    %dma_start3A_368 = tpu.memref_slice %arg5[%add3A_365] : memref<16384xf32, #tpu.memory_space<hbm>> -> memref<256xf32, #tpu.memory_space<hbm>>
    %dma_start3A_369 = tpu.memref_slice %arg5[%add3A_365] : memref<16384xf32, #tpu.memory_space<hbm>> -> memref<256xf32, #tpu.memory_space<hbm>>
    %dma_start3A_370 = arith.constant 256 : i32
    %dma_start3A_371 = tpu.memref_slice %arg9[%dma_start3A_370] : memref<512xf32, #tpu.memory_space<vmem>> -> memref<256xf32, #tpu.memory_space<vmem>>
    tpu.enqueue_dma source(%dma_start3A_371 : memref<256xf32, #tpu.memory_space<vmem>>) target(%dma_start3A_369 : memref<256xf32, #tpu.memory_space<hbm>>) target_semaphore(%arg10 : memref<!tpu.dma_semaphore, #tpu.memory_space<semaphore_mem>>)
    %dma_wait3A_372 = arith.constant 0 : i32
    %dma_wait3A_373 = tpu.memref_slice %arg9[%dma_wait3A_372] : memref<512xf32, #tpu.memory_space<vmem>> -> memref<256xf32, #tpu.memory_space<vmem>>
    %dma_wait3A_374 = tpu.memref_slice %arg5[%mul3A_2] : memref<16384xf32, #tpu.memory_space<hbm>> -> memref<256xf32, #tpu.memory_space<hbm>>
    %dma_wait3A_375 = tpu.memref_slice %arg5[%mul3A_2] : memref<16384xf32, #tpu.memory_space<hbm>> -> memref<256xf32, #tpu.memory_space<hbm>>
    %dma_wait3A_376 = arith.constant 0 : i32
    %dma_wait3A_377 = tpu.memref_slice %arg9[%dma_wait3A_376] : memref<512xf32, #tpu.memory_space<vmem>> -> memref<256xf32, #tpu.memory_space<vmem>>
    tpu.wait_dma2 semaphore(%arg10 : memref<!tpu.dma_semaphore, #tpu.memory_space<semaphore_mem>>) src(%dma_wait3A_377 : memref<256xf32, #tpu.memory_space<vmem>>) dst(%dma_wait3A_375 : memref<256xf32, #tpu.memory_space<hbm>>)
    %dma_wait3A_378 = arith.constant 256 : i32
    %dma_wait3A_379 = tpu.memref_slice %arg9[%dma_wait3A_378] : memref<512xf32, #tpu.memory_space<vmem>> -> memref<256xf32, #tpu.memory_space<vmem>>
    %dma_wait3A_380 = tpu.memref_slice %arg5[%add3A_365] : memref<16384xf32, #tpu.memory_space<hbm>> -> memref<256xf32, #tpu.memory_space<hbm>>
    %dma_wait3A_381 = tpu.memref_slice %arg5[%add3A_365] : memref<16384xf32, #tpu.memory_space<hbm>> -> memref<256xf32, #tpu.memory_space<hbm>>
    %dma_wait3A_382 = arith.constant 256 : i32
    %dma_wait3A_383 = tpu.memref_slice %arg9[%dma_wait3A_382] : memref<512xf32, #tpu.memory_space<vmem>> -> memref<256xf32, #tpu.memory_space<vmem>>
    tpu.wait_dma2 semaphore(%arg10 : memref<!tpu.dma_semaphore, #tpu.memory_space<semaphore_mem>>) src(%dma_wait3A_383 : memref<256xf32, #tpu.memory_space<vmem>>) dst(%dma_wait3A_381 : memref<256xf32, #tpu.memory_space<hbm>>)
    return
  }
}

module attributes {stable_mosaic.version = 14 : i64} {
  func.func @_table_body(%arg0: memref<11x10xf32, #tpu.memory_space<vmem>>, %arg1: memref<13x20xf32, #tpu.memory_space<vmem>>, %arg2: memref<20xf32, #tpu.memory_space<vmem>>, %arg3: memref<20x1xf32, #tpu.memory_space<vmem>>, %arg4: memref<1xf32, #tpu.memory_space<vmem>>, %arg5: memref<1x64xf32, #tpu.memory_space<vmem>>) attributes {dimension_semantics = [], scalar_prefetch = 0 : i64, scratch_operands = 0 : i64, tpu.core_type = #tpu.core_type<tc>} {
    %iota3A = tpu.iota {dimensions = array<i32: 0>} : vector<64x1xi32>
    %jit3A = arith.constant 11 : i32
    %div3A = vector.broadcast %jit3A : i32 to vector<64x1xi32>
    %div3A_0 = arith.divsi %iota3A, %div3A : vector<64x1xi32>
    %sign3A = arith.constant 0 : i32
    %sign3A_1 = vector.broadcast %sign3A : i32 to vector<64x1xi32>
    %sign3A_2 = arith.cmpi sgt, %iota3A, %sign3A_1 : vector<64x1xi32>
    %sign3A_3 = arith.extui %sign3A_2 : vector<64x1xi1> to vector<64x1xi32>
    %sign3A_4 = arith.constant 0 : i32
    %sign3A_5 = vector.broadcast %sign3A_4 : i32 to vector<64x1xi32>
    %sign3A_6 = arith.cmpi slt, %iota3A, %sign3A_5 : vector<64x1xi32>
    %sign3A_7 = arith.extui %sign3A_6 : vector<64x1xi1> to vector<64x1xi32>
    %sign3A_8 = arith.subi %sign3A_3, %sign3A_7 : vector<64x1xi32>
    %sign3A_9 = arith.constant 0 : i32
    %sign3A_10 = arith.cmpi sgt, %jit3A, %sign3A_9 : i32
    %sign3A_11 = arith.extui %sign3A_10 : i1 to i32
    %sign3A_12 = arith.constant 0 : i32
    %sign3A_13 = arith.cmpi slt, %jit3A, %sign3A_12 : i32
    %sign3A_14 = arith.extui %sign3A_13 : i1 to i32
    %sign3A_15 = arith.subi %sign3A_11, %sign3A_14 : i32
    %ne3A = vector.broadcast %sign3A_15 : i32 to vector<64x1xi32>
    %ne3A_16 = arith.cmpi ne, %sign3A_8, %ne3A : vector<64x1xi32>
    %rem3A = vector.broadcast %jit3A : i32 to vector<64x1xi32>
    %rem3A_17 = arith.remsi %iota3A, %rem3A : vector<64x1xi32>
    %ne3A_18 = arith.constant 0 : i32
    %ne3A_19 = vector.broadcast %ne3A_18 : i32 to vector<64x1xi32>
    %ne3A_20 = arith.cmpi ne, %rem3A_17, %ne3A_19 : vector<64x1xi32>
    %and3A = arith.andi %ne3A_16, %ne3A_20 : vector<64x1xi1>
    %sub3A = arith.constant 1 : i32
    %sub3A_21 = vector.broadcast %sub3A : i32 to vector<64x1xi32>
    %sub3A_22 = arith.subi %div3A_0, %sub3A_21 : vector<64x1xi32>
    %select_n3A = arith.select %and3A, %sub3A_22, %div3A_0 : vector<64x1xi1>, vector<64x1xi32>
    %jit3A_23 = arith.constant 11 : i32
    %eq3A = arith.constant 0 : i32
    %eq3A_24 = arith.cmpi eq, %jit3A_23, %eq3A : i32
    %jit3A_25 = arith.constant 1 : i32
    %select_n3A_26 = arith.select %eq3A_24, %jit3A_25, %jit3A_23 : i32
    %rem3A_27 = vector.broadcast %select_n3A_26 : i32 to vector<64x1xi32>
    %rem3A_28 = arith.remsi %iota3A, %rem3A_27 : vector<64x1xi32>
    %ne3A_29 = arith.constant 0 : i32
    %ne3A_30 = vector.broadcast %ne3A_29 : i32 to vector<64x1xi32>
    %ne3A_31 = arith.cmpi ne, %rem3A_28, %ne3A_30 : vector<64x1xi32>
    %lt3A = arith.constant 0 : i32
    %lt3A_32 = vector.broadcast %lt3A : i32 to vector<64x1xi32>
    %lt3A_33 = arith.cmpi slt, %rem3A_28, %lt3A_32 : vector<64x1xi32>
    %lt3A_34 = arith.constant 0 : i32
    %lt3A_35 = arith.cmpi slt, %select_n3A_26, %lt3A_34 : i32
    %ne3A_36 = vector.broadcast %lt3A_35 : i1 to vector<64x1xi1>
    %ne3A_37 = vector.broadcast %ne3A_36 : vector<64x1xi1> to vector<64x1xi1>
    %ne3A_38 = arith.xori %lt3A_33, %ne3A_37 : vector<64x1xi1>
    %and3A_39 = arith.andi %ne3A_38, %ne3A_31 : vector<64x1xi1>
    %add3A = vector.broadcast %select_n3A_26 : i32 to vector<64x1xi32>
    %add3A_40 = arith.addi %rem3A_28, %add3A : vector<64x1xi32>
    %select_n3A_41 = arith.select %and3A_39, %add3A_40, %rem3A_28 : vector<64x1xi1>, vector<64x1xi32>
    %iota3A_42 = tpu.iota {dimensions = array<i32: 1>} : vector<64x3xi32>
    %eq3A_43 = vector.broadcast %select_n3A : vector<64x1xi32> to vector<64x3xi32>
    %eq3A_44 = arith.cmpi eq, %eq3A_43, %iota3A_42 : vector<64x3xi32>
    %convert_element_type3A = arith.extui %eq3A_44 : vector<64x3xi1> to vector<64x3xi32>
    %convert_element_type3A_45 = arith.sitofp %convert_element_type3A : vector<64x3xi32> to vector<64x3xf32>
    %iota3A_46 = tpu.iota {dimensions = array<i32: 1>} : vector<64x11xi32>
    %eq3A_47 = vector.broadcast %select_n3A_41 : vector<64x1xi32> to vector<64x11xi32>
    %eq3A_48 = arith.cmpi eq, %eq3A_47, %iota3A_46 : vector<64x11xi32>
    %convert_element_type3A_49 = arith.extui %eq3A_48 : vector<64x11xi1> to vector<64x11xi32>
    %convert_element_type3A_50 = arith.sitofp %convert_element_type3A_49 : vector<64x11xi32> to vector<64x11xf32>
    %get3A = arith.constant 0 : index
    %get3A_51 = arith.constant 0 : index
    %get3A_52 = vector.load %arg0[%get3A, %get3A_51] : memref<11x10xf32, #tpu.memory_space<vmem>>, vector<11x10xf32>
    %dot_general3A = arith.constant dense<0.000000e+00> : vector<64x10xf32>
    %dot_general3A_53 = tpu.matmul %convert_element_type3A_50, %get3A_52, %dot_general3A {dimension_numbers = #tpu.dot_dimension_numbers<[1], [0], [0], [1], [0, 0, 1, 1], [], []>, transpose_lhs_hint = false} : vector<64x11xf32>, vector<11x10xf32>, vector<64x10xf32> -> vector<64x10xf32>
    %get3A_54 = arith.constant 0 : index
    %get3A_55 = arith.constant 0 : index
    %get3A_56 = vector.load %arg1[%get3A_54, %get3A_55] : memref<13x20xf32, #tpu.memory_space<vmem>>, vector<3x20xf32>
    %dot_general3A_57 = arith.constant dense<0.000000e+00> : vector<64x20xf32>
    %dot_general3A_58 = tpu.matmul %convert_element_type3A_45, %get3A_56, %dot_general3A_57 {dimension_numbers = #tpu.dot_dimension_numbers<[1], [0], [0], [1], [0, 0, 1, 1], [], []>, transpose_lhs_hint = false} : vector<64x3xf32>, vector<3x20xf32>, vector<64x20xf32> -> vector<64x20xf32>
    %get3A_59 = arith.constant 3 : index
    %get3A_60 = arith.constant 0 : index
    %get3A_61 = vector.load %arg1[%get3A_59, %get3A_60] : memref<13x20xf32, #tpu.memory_space<vmem>>, vector<10x20xf32>
    %dot_general3A_62 = arith.constant dense<0.000000e+00> : vector<64x20xf32>
    %dot_general3A_63 = tpu.matmul %dot_general3A_53, %get3A_61, %dot_general3A_62 {dimension_numbers = #tpu.dot_dimension_numbers<[1], [0], [0], [1], [0, 0, 1, 1], [], []>, transpose_lhs_hint = false} : vector<64x10xf32>, vector<10x20xf32>, vector<64x20xf32> -> vector<64x20xf32>
    %add3A_64 = arith.addf %dot_general3A_58, %dot_general3A_63 : vector<64x20xf32>
    %get3A_65 = arith.constant 0 : index
    %get3A_66 = vector.load %arg2[%get3A_65] : memref<20xf32, #tpu.memory_space<vmem>>, vector<20xf32>
    %broadcast_in_dim3A = vector.shape_cast %get3A_66 : vector<20xf32> to vector<1x20xf32>
    %broadcast_in_dim3A_67 = vector.broadcast %broadcast_in_dim3A : vector<1x20xf32> to vector<64x20xf32>
    %add3A_68 = arith.addf %add3A_64, %broadcast_in_dim3A_67 : vector<64x20xf32>
    %max3A = arith.constant 0.000000e+00 : f32
    %max3A_69 = vector.broadcast %max3A : f32 to vector<64x20xf32>
    %max3A_70 = arith.maximumf %add3A_68, %max3A_69 : vector<64x20xf32>
    %get3A_71 = arith.constant 0 : index
    %get3A_72 = arith.constant 0 : index
    %get3A_73 = vector.load %arg3[%get3A_71, %get3A_72] : memref<20x1xf32, #tpu.memory_space<vmem>>, vector<20x1xf32>
    %dot_general3A_74 = arith.constant dense<0.000000e+00> : vector<1x64xf32>
    %dot_general3A_75 = tpu.matmul %get3A_73, %max3A_70, %dot_general3A_74 {dimension_numbers = #tpu.dot_dimension_numbers<[0], [1], [1], [0], [0, 1, 1, 0], [], []>, transpose_lhs_hint = false} : vector<20x1xf32>, vector<64x20xf32>, vector<1x64xf32> -> vector<1x64xf32>
    %get3A_76 = arith.constant 0 : index
    %get3A_77 = vector.load %arg4[%get3A_76] : memref<1xf32, #tpu.memory_space<vmem>>, vector<1xf32>
    %broadcast_in_dim3A_78 = vector.shape_cast %get3A_77 : vector<1xf32> to vector<1x1xf32>
    %broadcast_in_dim3A_79 = vector.broadcast %broadcast_in_dim3A_78 : vector<1x1xf32> to vector<1x64xf32>
    %add3A_80 = arith.addf %dot_general3A_75, %broadcast_in_dim3A_79 : vector<1x64xf32>
    %abs3A = math.absf %add3A_80 : vector<1x64xf32>
    %add3A_81 = arith.constant 1.000000e+00 : f32
    %add3A_82 = vector.broadcast %add3A_81 : f32 to vector<1x64xf32>
    %add3A_83 = arith.addf %add3A_82, %abs3A : vector<1x64xf32>
    %div3A_84 = arith.divf %add3A_80, %add3A_83 : vector<1x64xf32>
    %swap3A = arith.constant 0 : index
    %swap3A_85 = arith.constant 0 : index
    %swap3A_86 = vector.load %arg5[%swap3A, %swap3A_85] : memref<1x64xf32, #tpu.memory_space<vmem>>, vector<1x64xf32>
    tpu.vector_store %arg5[%swap3A, %swap3A_85], %div3A_84 {strides = array<i32>} : memref<1x64xf32, #tpu.memory_space<vmem>>, vector<1x64xf32>,
    return
  }
}

</mosaic_0001>

<sc_bundles>
// kernel: kernel.4.cloned.1.call-start
scs
__scs_entry_jumppad:
0x0: {  	(pc) =	sbr.rel $0x88, $3  }
0x1: {  	(tag) =	ssettag $0x0;
	lr =	simm.s32 $0x1  }
0x2: {  	[smem:$0x3F9A] =	sst lr;
	_ =	strace $0xD0000000  }
0x3: {  	_ = 	snop  }
0x4: {  	_ = 	snop  }
0x5: {  	_ = 	snop  }
0x6: {  	_ = 	snop  }
0x7: {  	_ = 	snop  }
__scs_overlays_trampoline_lowered:
0x8: {  	[smem:$0x3FA9] =	sst s0  }
0x9: {  	[smem:$0x3FAA] =	sst s1  }
0xa: {  	[smem:$0x3FAB] =	sst s2  }
0xb: {  	[smem:$0x3FAC] =	sst s3  }
0xc: {  	[smem:$0x3FAD] =	sst s4  }
0xd: {  	[smem:$0x3FAE] =	sst s5  }
0xe: {  	[smem:$0x3FAF] =	sst s6  }
0xf: {  	[smem:$0x3FB0] =	sst s7  }
0x10: {  	[smem:$0x3FB1] =	sst s8  }
0x11: {  	[smem:$0x3FB2] =	sst s9;
	s0 =	simm.s32 @!p0 $0x0  }
0x12: {  	s1 =	sld [smem:$0x3F98];
	s0 =	simm.s32 @p0 $0x1  }
0x13: {  	[smem:$0x3FB3] =	sst s0;
	s0 =	simm.s32 @!p1 $0x0  }
0x14: {  	s2 =	sld [smem:$0x3F97];
	s0 =	simm.s32 @p1 $0x1  }
0x15: {  	[smem:$0x3FB4] =	sst s0;
	s0 =	simm.s32 @!p2 $0x0  }
0x16: {  	s3 =	sld [smem:$0x3FDB];
	s0 =	simm.s32 @p2 $0x1  }
0x17: {  	s4 =	simm.s32 $0x1BF5;
	[smem:$0x3FB6] =	sst s0  }
0x18: {  	s0 =	sld [smem:$0x3F99];
	_ =	swait.ge [sflag:s4], $0x0  }
0x19: {  	s7 =	sld [smem:$0x3F9A]  }
0x1a: {  	s8 =	sadd.s32 $0xFFFFE003, lr  }
0x1b: {  	s9 =	sadd.s32 $0xFFFFFEF7, lr;
	s5 =	simm.s32 $0xFFFFFFFF;
	p2 =	slt.u32 s8, $0xFFFFF086  }
0x1c: {  	p1 =	slt.u32 s9, $0xF7A;
	s5 =	simm.s32 @!p2 $0x0  }
0x1d: {  	s5 =	simm.s32 @p1 $0x1;
	p0 =	seq.s32 s7, s2  }
0x1e: {  	s7 =	smul.u32 @!p0 $0xF7A, s2;
	p2 =	seq.s32 @!p0 s5, $0x0  }
0x1f: {  	s9 =	smul.u32 $0xF7A, s1;
	s8 =	simm.s32 @!p0 $0x1BF5;
	p2 =	por !p2, p0  }
0x20: {  	[sflag:s8] =	ssyncset.s32 @!p0 $0xFFFFF086;
	s6 =	sadd.s32 @!p0 s3, s7;
	s7 =	simm.s32 @!p0 $0x108  }
0x21: {  	s3 =	sadd.s32 s3, s9;
	s6 =	sadd.s32 @!p0 $0x88, s6;
	s7 =	simm.s32 @p2 $0x1082  }
0x22: {  	[simem:s7], [sflag:s8] =	dma.local @!p0 [hbm:s6], $0xF7A  }
0x23: {  	s9 =	sor.u32 $0xD0000000, s2;
	s6 =	simm.s32 $0x108;
	_ =	swait.ge @!p0 [sflag:s8], $0x0  }
0x24: {  	s3 =	sadd.s32 $0x88, s3;
	s6 =	simm.s32 @!p1 $0x1082;
	[sflag:s4] =	ssyncset.s32 $0xFFFFF086  }
0x25: {  	[simem:s6], [sflag:s4] =	dma.local [hbm:s3], $0xF7A  }
0x26: {  	[smem:$0x3F9A] =	sst s1;
	(tag) =	ssettag s2;
	_ =	strace s9  }
0x27: {  	s1 =	sld [smem:$0x3FAA]  }
0x28: {  	s2 =	sld [smem:$0x3FAB]  }
0x29: {  	s4 =	sld [smem:$0x3FAD]  }
0x2a: {  	p0 =	seq.s32 s5, $0x0;
	s5 =	sld [smem:$0x3FAE]  }
0x2b: {  	s6 =	sld [smem:$0x3FAF]  }
0x2c: {  	s7 =	sld [smem:$0x3FB0]  }
0x2d: {  	s3 =	simm.s32 $0x108;
	s8 =	sld [smem:$0x3FB1]  }
0x2e: {  	s3 =	simm.s32 @!p0 $0x1082;
	s9 =	sld [smem:$0x3FB2]  }
0x2f: {  	lr =	sadd.s32 s0, s3;
	s0 =	sld [smem:$0x3FA9]  }
0x30: {  	s3 =	sld [smem:$0x3FAC]  }
0x31: {  	[smem:$0x3FB5] =	sst s10  }
0x32: {  	s10 =	sld [smem:$0x3FB3];
	_ =	sdelay $0x3  }
0x33: {  	p0 =	seq.s32 s10, $0x1;
	s10 =	sld [smem:$0x3FB5];
	_ =	sdelay $0x3  }
0x34: {  	[smem:$0x3FB5] =	sst s10  }
0x35: {  	s10 =	sld [smem:$0x3FB4];
	_ =	sdelay $0x3  }
0x36: {  	p1 =	seq.s32 s10, $0x1;
	s10 =	sld [smem:$0x3FB5];
	_ =	sdelay $0x3  }
0x37: {  	[smem:$0x3FB5] =	sst s10  }
0x38: {  	s10 =	sld [smem:$0x3FB6]  }
0x39: {  	_ = 	snop;
	(pc) =	sbr.ind lr, $3  }
0x3a: {  	_ = 	snop  }
0x3b: {  	_ = 	snop  }
0x3c: {  	p2 =	seq.s32 s10, $0x1;
	s10 =	sld [smem:$0x3FB5]  }
0x3d: {  	_ =	shalt  }
0x3e: {  	_ =	shalt  }
0x3f: {  	_ =	shalt  }
0x40: {  	_ =	shalt  }
0x41: {  	_ =	shalt  }
0x42: {  	_ =	shalt  }
0x43: {  	_ =	shalt  }
0x44: {  	_ =	shalt  }
0x45: {  	_ =	shalt  }
0x46: {  	_ =	shalt  }
0x47: {  	_ =	shalt  }
0x48: {  	_ =	shalt  }
0x49: {  	_ =	shalt  }
0x4a: {  	_ =	shalt  }
0x4b: {  	_ =	shalt  }
0x4c: {  	_ =	shalt  }
0x4d: {  	_ =	shalt  }
0x4e: {  	_ =	shalt  }
0x4f: {  	_ =	shalt  }
0x50: {  	_ =	shalt  }
0x51: {  	_ =	shalt  }
0x52: {  	_ =	shalt  }
0x53: {  	_ =	shalt  }
0x54: {  	_ =	shalt  }
0x55: {  	_ =	shalt  }
0x56: {  	_ =	shalt  }
0x57: {  	_ =	shalt  }
0x58: {  	_ =	shalt  }
0x59: {  	_ =	shalt  }
0x5a: {  	_ =	shalt  }
0x5b: {  	_ =	shalt  }
0x5c: {  	_ =	shalt  }
0x5d: {  	_ =	shalt  }
0x5e: {  	_ =	shalt  }
0x5f: {  	_ =	shalt  }
0x60: {  	_ =	shalt  }
0x61: {  	_ =	shalt  }
0x62: {  	_ =	shalt  }
0x63: {  	_ =	shalt  }
0x64: {  	_ =	shalt  }
0x65: {  	_ =	shalt  }
0x66: {  	_ =	shalt  }
0x67: {  	_ =	shalt  }
0x68: {  	_ =	shalt  }
0x69: {  	_ =	shalt  }
0x6a: {  	_ =	shalt  }
0x6b: {  	_ =	shalt  }
0x6c: {  	_ =	shalt  }
0x6d: {  	_ =	shalt  }
0x6e: {  	_ =	shalt  }
0x6f: {  	_ =	shalt  }
0x70: {  	_ =	shalt  }
0x71: {  	_ =	shalt  }
0x72: {  	_ =	shalt  }
0x73: {  	_ =	shalt  }
0x74: {  	_ =	shalt  }
0x75: {  	_ =	shalt  }
0x76: {  	_ =	shalt  }
0x77: {  	_ =	shalt  }
0x78: {  	_ =	shalt  }
0x79: {  	_ =	shalt  }
0x7a: {  	_ =	shalt  }
0x7b: {  	_ =	shalt  }
0x7c: {  	_ =	shalt  }
0x7d: {  	_ =	shalt  }
0x7e: {  	_ =	shalt  }
0x7f: {  	_ =	shalt  }
0x80: {  	_ =	shalt  }
0x81: {  	_ =	shalt  }
0x82: {  	_ =	shalt  }
0x83: {  	_ =	shalt  }
0x84: {  	_ =	shalt  }
0x85: {  	_ =	shalt  }
0x86: {  	_ =	shalt  }
0x87: {  	_ =	shalt  }
.Lfunc_end0:
.L_simem_size_0:
called_computation_lowered:
.L_overlay_start_0:
0x88: {  	s2 =	sld [smem:$0x3FD9]  }
0x89: {  	s3 =	sld [smem:$0x3FFE];
	_ =	sdelay $0x1  }
0x8a: {  	s1 =	srdreg.scid  }
0x8b: {  	s0 =	sand.u32 $0x1, s1  }
0x8c: {  	s17 =	sshll.u32 s0, $0xA;
	s2 =	sadd.s32 s3, s2  }
0x8d: {  	s2 =	sadd.s32 s2, s17  }
0x8e: {  	[smem:$0x3FC1] =	sst s2  }
0x8f: {  	_ = 	snop  }
0x90: {  	s2 =	sld [smem:$0x3FC9]  }
0x91: {  	s18 =	sld [smem:$0x3FC8]  }
0x92: {  	s4 =	sld [smem:$0x3FD0];
	(tm) =	ssettm $0x1  }
0x93: {  	s5 =	sld [smem:$0x3FFB];
	_ =	sdelay $0x3  }
0x94: {  	_ =	strace s5  }
0x95: {  	s5 =	sld [smem:$0x3FFC];
	_ =	sdelay $0x3  }
0x96: {  	_ =	strace s5  }
0x97: {  	s5 =	sld [smem:$0x3FFD];
	_ =	sdelay $0x3  }
0x98: {  	_ =	strace s5  }
0x99: {  	_ =	strace $0x8FFFFFFF  }
0x9a: {  	s19 =	sld [smem:$0x3FDB];
	_ =	sdelay $0x1  }
0x9b: {  	s6 =	simm.s32 $_scs_section_size  }
0x9c: {  	s7 =	simm.s32 $_size__tile_overlayer_lowered;
	s8 =	simm.s32 $_tile_overlayer_lowered  }
0x9d: {  	s22 =	simm.s32 $0x1BFF;
	s21 =	sshll.u32 s8, $0x1;
	s5 =	sadd.s32 s6, s19  }
0x9e: {  	s9 =	simm.s32 $0x0;
	s20 =	sshll.u32 s7, $0x1;
	s7 =	sadd.s32 s21, s5  }
0x9f: {  	[timem:s9], [sflag:s22] =	dma.local [hbm:s7], s20  }
0xa0: {  	_ =	swait.ge [sflag:s22], s20  }
0xa1: {  	s6 =	ssub.s32 $0x0, s20;
	[sflag:s22] =	ssyncset.done $0x0  }
0xa2: {  	[sflag:s22] =	ssyncadd.s32 s6;
	_ =	sdelay $0x1  }
0xa3: {  	s23 =	simm.s32 $0x1B8B  }
0xa4: {  	_ =	swait.ge [sflag:s23], $0x1  }
0xa5: {  	[sflag:s23] =	ssyncset.done $0x0  }
0xa6: {  	s25 =	simm.s32 $0x1B8E;
	s24 =	sld [smem:$0x3FFE];
	[sflag:s23] =	ssyncadd.s32 $0xFFFFFFFF  }
0xa7: {  	s26 =	simm.s32 $execute0_lowered;
	[smem:$0x3FD2] =	sst s25  }
0xa8: {  	s7 =	sshll.u32 s26, $0x1;
	_ =	strace $0x80000046;
	[dreg:$0x1] =	wrdreg $0xFFFFFFFF  }
0xa9: {  	s28 =	simm.s32 $_size_execute0_lowered;
	s5 =	sadd.s32 s5, s7;
	[dreg:$0x0] =	wrdreg $0x0  }
0xaa: {  	s7 =	sshll.u32 s28, $0x1;
	[dreg:$0x2] =	wrdreg s5  }
0xab: {  	[dreg:$0x3] =	wrdreg s7  }
0xac: {  	[dreg:$0x4] =	wrdreg $0xC0  }
0xad: {  	_ =	task [dreg:s9], $0x5FFFF  }
0xae: {  	[dreg:$0x1] =	wrdreg $0xFFFFFFFF  }
0xaf: {  	[dreg:$0x0] =	wrdreg $0x60  }
0xb0: {  	[dreg:$0x2] =	wrdreg s2  }
0xb1: {  	[dreg:$0x3] =	wrdreg s18  }
0xb2: {  	[dreg:$0x4] =	wrdreg s24  }
0xb3: {  	[dreg:$0x5] =	wrdreg s4  }
0xb4: {  	[dreg:$0x6] =	wrdreg $0x9  }
0xb5: {  	_ =	task.clear_ibuf [dreg:s9], $0x7FFFF;
	_ =	strace $0x90000046  }
0xb6: {  	s29 =	simm.s32 $0x9;
	_ =	strace $0x80000048  }
0xb7: {  	_ =	swait.ge [sflag:s29], $0x1  }
0xb8: {  	[sflag:s29] =	ssyncadd.s32 $0xFFFFFFFF  }
0xb9: {  	_ =	strace $0x90000048  }
0xba: {  	_ =	sfence  }
0xbb: {  	s30 =	sld [smem:$0x0];
	_ =	sdelay $0x2  }
0xbc: {  	s31 =	sshll.u32 s1, $0xD;
	s1 =	sshrl.u32 s1, $0x2  }
0xbd: {  	s3 =	sand.u32 $0x4000, s31;
	s1 =	sadd.s32 s1, s30  }
0xbe: {  	s0 =	sor.u32 s3, s0;
	s1 =	sshll.u32 s1, $0x11  }
0xbf: {  	s0 =	sor.u32 s1, s0  }
0xc0: {  	s0 =	sadd.s32 $0x8F2B, s0  }
0xc1: {  	[sflag:s0] =	ssyncadd.remote.s32 $0x1  }
0xc2: {  	_ =	sfence.sel $0xFFFF  }
0xc3: {  	[dreg:$0x0] =	wrdreg $0xFFFFFFFF;
	(pc) =	sbr.abs _section_cstart, $3  }
0xc4: {  	[dreg:$0x1] =	wrdreg $0xFFFFFFFF  }
0xc5: {  	_ =	task.clear_ibuf [dreg:s9], $0x2FFFF;
	_ =	strace $0x9FFFFFFF  }
0xc6: {  	(tm) =	ssettm $0x7FFFFFFF  }
0xc7: {  	_ =	shalt  }
tec
execute0_lowered:
.L_overlay_start_1:
0x0: {  	(tag) =	ssettag $0x1  }
0x1: {  	s5 =	rddreg [dreg:$0x0]  }
0x2: {  	s6 =	rddreg [dreg:$0x1]  }
0x3: {  	s3 =	rddreg [dreg:$0x2]  }
0x4: {  	s4 =	rddreg [dreg:$0x3]  }
0x5: {  	s0 =	rddreg [dreg:$0x4];
	s2 =	simm.s32 $0x0;
	s7 =	srdreg.scid  }
0x6: {  	s1 =	stileid.u32;
	s11 =	simm.s32 $0x1;
	s12 =	simm.s32 $0x480  }
0x7: {  	s13 =	simm.s32 $0x580;
	[smem:$0x7FF] =	sst s2;
	s7 =	sand.u32 $0x1, s7  }
0x8: {  	s9 =	sshll.u32 s1, $0x7;
	s3 =	sadd.s32 $0xC00, s3;
	s8 =	ssub.s32 $0x2, s7  }
0x9: {  	s7 =	sshll.u32 s7, $0x6;
	_ =	strace $0x80000047;
	s10 =	sshrl.u32 s8, $0x1  }
0xa: {  	s7 =	sor.u32 s7, s9;
	s9 =	simm.s32 $0x400;
	s8 =	ssub.s32 s8, s10  }
0xb: {  	s4 =	sadd.s32 s4, s7;
	s5 =	sadd.s32 s5, s7;
	s6 =	sadd.s32 s6, s7  }
0xc: {  	s10 =	simm.s32 $0x200;
	s7 =	sadd.s32 $0x20, s4;
	s8 =	smax.u32 s8, $0x1  }
.LBB2_1:
0xd: {  	[tilespmem:s9], [sflag:$0x1] =	stream.linear.gather [hbm4b:s3+s2], $0x80, $0x38;
	[tilespmem:$0x680] =	vst v63  }
0xe: {  	_ = 	snop  }
0xf: {  	[tilespmem:s2], [sflag:$0x1] =	stream.linear.gather [hbm4b:s5+s2], $0x200, $0x38;
	[tilespmem:$0x680] =	vst v63  }
0x10: {  	_ = 	snop  }
0x11: {  	[tilespmem:s10], [sflag:$0x1] =	stream.linear.gather [hbm4b:s6+s2], $0x200, $0x38;
	[tilespmem:$0x680] =	vst v63  }
0x12: {  	_ =	swait.ge [sflag:s11], $0x80  }
0x13: {  	[sflag:s11] =	ssyncset.done $0x0  }
0x14: {  	[sflag:s11] =	ssyncadd.s32 $0xFFFFFF80  }
0x15: {  	_ =	swait.ge [sflag:s11], $0x200  }
0x16: {  	[sflag:s11] =	ssyncset.done $0x0  }
0x17: {  	[sflag:s11] =	ssyncadd.s32 $0xFFFFFE00  }
0x18: {  	_ =	swait.ge [sflag:s11], $0x200  }
0x19: {  	[sflag:s11] =	ssyncset.done $0x0  }
0x1a: {  	[sflag:s11] =	ssyncadd.s32 $0xFFFFFE00  }
0x1b: {  	v0 =	vld [tilespmem:$0x0];
	_ =	sdelay $0x1  }
0x1c: {  	v1 =	vld [tilespmem:$0x200];
	_ =	sdelay $0x2  }
0x1d: {  	v0 =	vmul.u32 $0xB, v0  }
0x1e: {  	v2 =	vld [tilespmem:$0x10]  }
0x1f: {  	v0 =	vadd.s32 v1, v0  }
0x20: {  	v35 =	vld [tilespmem:$0x210];
	_ =	sdelay $0x2  }
0x21: {  	v36 =	vld [tilespmem:$0x20];
	v2 =	vmul.u32 $0xB, v2  }
0x22: {  	v0 =	vld.idx.msk [tilespmem:v0+s9+$0x0], $0xffff  }
0x23: {  	v1 =	vadd.s32 v35, v2  }
0x24: {  	v3 =	vld [tilespmem:$0x220];
	_ =	sdelay $0x2  }
0x25: {  	v38 =	vld [tilespmem:$0x30];
	v37 =	vmul.u32 $0xB, v36;
	[tilespmem:$0x480] =	vst v0  }
0x26: {  	v0 =	vld.idx.msk [tilespmem:v1+s9+$0x0], $0xffff  }
0x27: {  	v1 =	vadd.s32 v3, v37  }
0x28: {  	v39 =	vld [tilespmem:$0x230];
	_ =	sdelay $0x2  }
0x29: {  	v41 =	vld [tilespmem:$0x40];
	v40 =	vmul.u32 $0xB, v38;
	[tilespmem:$0x490] =	vst v0  }
0x2a: {  	v1 =	vld.idx.msk [tilespmem:v1+s9+$0x0], $0xffff  }
0x2b: {  	v0 =	vadd.s32 v39, v40  }
0x2c: {  	v42 =	vld [tilespmem:$0x240];
	_ =	sdelay $0x2  }
0x2d: {  	v44 =	vld [tilespmem:$0x50];
	v43 =	vmul.u32 $0xB, v41;
	[tilespmem:$0x4A0] =	vst v1  }
0x2e: {  	v0 =	vld.idx.msk [tilespmem:v0+s9+$0x0], $0xffff  }
0x2f: {  	v1 =	vadd.s32 v42, v43  }
0x30: {  	v45 =	vld [tilespmem:$0x250];
	_ =	sdelay $0x2  }
0x31: {  	v47 =	vld [tilespmem:$0x60];
	v46 =	vmul.u32 $0xB, v44;
	[tilespmem:$0x4B0] =	vst v0  }
0x32: {  	v1 =	vld.idx.msk [tilespmem:v1+s9+$0x0], $0xffff  }
0x33: {  	v0 =	vadd.s32 v45, v46  }
0x34: {  	v48 =	vld [tilespmem:$0x260];
	_ =	sdelay $0x2  }
0x35: {  	v50 =	vld [tilespmem:$0x70];
	v49 =	vmul.u32 $0xB, v47;
	[tilespmem:$0x4C0] =	vst v1  }
0x36: {  	v0 =	vld.idx.msk [tilespmem:v0+s9+$0x0], $0xffff  }
0x37: {  	v1 =	vadd.s32 v48, v49  }
0x38: {  	v51 =	vld [tilespmem:$0x270];
	_ =	sdelay $0x2  }
0x39: {  	v53 =	vld [tilespmem:$0x80];
	v52 =	vmul.u32 $0xB, v50;
	[tilespmem:$0x4D0] =	vst v0  }
0x3a: {  	v1 =	vld.idx.msk [tilespmem:v1+s9+$0x0], $0xffff  }
0x3b: {  	v0 =	vadd.s32 v51, v52  }
0x3c: {  	v54 =	vld [tilespmem:$0x280];
	_ =	sdelay $0x2  }
0x3d: {  	v56 =	vld [tilespmem:$0x90];
	v55 =	vmul.u32 $0xB, v53;
	[tilespmem:$0x4E0] =	vst v1  }
0x3e: {  	v0 =	vld.idx.msk [tilespmem:v0+s9+$0x0], $0xffff  }
0x3f: {  	v1 =	vadd.s32 v54, v55  }
0x40: {  	v57 =	vld [tilespmem:$0x290];
	_ =	sdelay $0x2  }
0x41: {  	v59 =	vld [tilespmem:$0xA0];
	v58 =	vmul.u32 $0xB, v56;
	[tilespmem:$0x4F0] =	vst v0  }
0x42: {  	v1 =	vld.idx.msk [tilespmem:v1+s9+$0x0], $0xffff  }
0x43: {  	v0 =	vadd.s32 v57, v58  }
0x44: {  	v60 =	vld [tilespmem:$0x2A0];
	_ =	sdelay $0x2  }
0x45: {  	v62 =	vld [tilespmem:$0xB0];
	v61 =	vmul.u32 $0xB, v59;
	[tilespmem:$0x500] =	vst v1  }
0x46: {  	v0 =	vld.idx.msk [tilespmem:v0+s9+$0x0], $0xffff  }
0x47: {  	v1 =	vadd.s32 v60, v61  }
0x48: {  	v63 =	vld [tilespmem:$0x2B0];
	_ =	sdelay $0x2  }
0x49: {  	v6 =	vld [tilespmem:$0xC0];
	v5 =	vmul.u32 $0xB, v62;
	[tilespmem:$0x510] =	vst v0  }
0x4a: {  	v1 =	vld.idx.msk [tilespmem:v1+s9+$0x0], $0xffff  }
0x4b: {  	v0 =	vadd.s32 v63, v5  }
0x4c: {  	v7 =	vld [tilespmem:$0x2C0];
	_ =	sdelay $0x2  }
0x4d: {  	v9 =	vld [tilespmem:$0xD0];
	v8 =	vmul.u32 $0xB, v6;
	[tilespmem:$0x520] =	vst v1  }
0x4e: {  	v0 =	vld.idx.msk [tilespmem:v0+s9+$0x0], $0xffff  }
0x4f: {  	v1 =	vadd.s32 v7, v8  }
0x50: {  	v10 =	vld [tilespmem:$0x2D0];
	_ =	sdelay $0x2  }
0x51: {  	v12 =	vld [tilespmem:$0xE0];
	v11 =	vmul.u32 $0xB, v9;
	[tilespmem:$0x530] =	vst v0  }
0x52: {  	v1 =	vld.idx.msk [tilespmem:v1+s9+$0x0], $0xffff  }
0x53: {  	v0 =	vadd.s32 v10, v11  }
0x54: {  	v13 =	vld [tilespmem:$0x2E0];
	_ =	sdelay $0x2  }
0x55: {  	v15 =	vld [tilespmem:$0xF0];
	v14 =	vmul.u32 $0xB, v12;
	[tilespmem:$0x540] =	vst v1  }
0x56: {  	v0 =	vld.idx.msk [tilespmem:v0+s9+$0x0], $0xffff  }
0x57: {  	v1 =	vadd.s32 v13, v14  }
0x58: {  	v16 =	vld [tilespmem:$0x2F0];
	_ =	sdelay $0x2  }
0x59: {  	v17 =	vmul.u32 $0xB, v15;
	[tilespmem:$0x550] =	vst v0  }
0x5a: {  	v1 =	vld.idx.msk [tilespmem:v1+s9+$0x0], $0xffff  }
0x5b: {  	v0 =	vadd.s32 v16, v17;
	_ =	sdelay $0x3  }
0x5c: {  	[tilespmem:$0x560] =	vst v1  }
0x5d: {  	v0 =	vld.idx.msk [tilespmem:v0+s9+$0x0], $0xffff;
	_ =	sdelay $0x4  }
0x5e: {  	[tilespmem:$0x570] =	vst v0  }
0x5f: {  	[hbm4b:s4+s2] =	stream.linear.scatter [tilespmem:s12], [sflag:$0x1], $0x100, $0x38;
	[tilespmem:$0x680] =	vst v63  }
0x60: {  	v18 =	vld [tilespmem:$0x100];
	_ =	sdelay $0x1  }
0x61: {  	v19 =	vld [tilespmem:$0x300];
	_ =	sdelay $0x2  }
0x62: {  	v0 =	vmul.u32 $0xB, v18  }
0x63: {  	v20 =	vld [tilespmem:$0x110]  }
0x64: {  	v0 =	vadd.s32 v19, v0  }
0x65: {  	v21 =	vld [tilespmem:$0x310];
	_ =	sdelay $0x2  }
0x66: {  	v22 =	vld [tilespmem:$0x120];
	v2 =	vmul.u32 $0xB, v20  }
0x67: {  	v0 =	vld.idx.msk [tilespmem:v0+s9+$0x0], $0xffff  }
0x68: {  	v1 =	vadd.s32 v21, v2  }
0x69: {  	v23 =	vld [tilespmem:$0x320];
	_ =	sdelay $0x2  }
0x6a: {  	v25 =	vld [tilespmem:$0x130];
	v24 =	vmul.u32 $0xB, v22;
	[tilespmem:$0x580] =	vst v0  }
0x6b: {  	v0 =	vld.idx.msk [tilespmem:v1+s9+$0x0], $0xffff  }
0x6c: {  	v1 =	vadd.s32 v23, v24  }
0x6d: {  	v26 =	vld [tilespmem:$0x330];
	_ =	sdelay $0x2  }
0x6e: {  	v28 =	vld [tilespmem:$0x140];
	v27 =	vmul.u32 $0xB, v25;
	[tilespmem:$0x590] =	vst v0  }
0x6f: {  	v1 =	vld.idx.msk [tilespmem:v1+s9+$0x0], $0xffff  }
0x70: {  	v0 =	vadd.s32 v26, v27  }
0x71: {  	v29 =	vld [tilespmem:$0x340];
	_ =	sdelay $0x2  }
0x72: {  	v31 =	vld [tilespmem:$0x150];
	v30 =	vmul.u32 $0xB, v28;
	[tilespmem:$0x5A0] =	vst v1  }
0x73: {  	v0 =	vld.idx.msk [tilespmem:v0+s9+$0x0], $0xffff  }
0x74: {  	v1 =	vadd.s32 v29, v30  }
0x75: {  	v32 =	vld [tilespmem:$0x350];
	_ =	sdelay $0x2  }
0x76: {  	v34 =	vld [tilespmem:$0x160];
	v33 =	vmul.u32 $0xB, v31;
	[tilespmem:$0x5B0] =	vst v0  }
0x77: {  	v1 =	vld.idx.msk [tilespmem:v1+s9+$0x0], $0xffff  }
0x78: {  	v0 =	vadd.s32 v32, v33  }
0x79: {  	v35 =	vld [tilespmem:$0x360];
	_ =	sdelay $0x2  }
0x7a: {  	v37 =	vld [tilespmem:$0x170];
	v36 =	vmul.u32 $0xB, v34;
	[tilespmem:$0x5C0] =	vst v1  }
0x7b: {  	v0 =	vld.idx.msk [tilespmem:v0+s9+$0x0], $0xffff  }
0x7c: {  	v1 =	vadd.s32 v35, v36  }
0x7d: {  	v38 =	vld [tilespmem:$0x370];
	_ =	sdelay $0x2  }
0x7e: {  	v40 =	vld [tilespmem:$0x180];
	v39 =	vmul.u32 $0xB, v37;
	[tilespmem:$0x5D0] =	vst v0  }
0x7f: {  	v1 =	vld.idx.msk [tilespmem:v1+s9+$0x0], $0xffff  }
0x80: {  	v0 =	vadd.s32 v38, v39  }
0x81: {  	v41 =	vld [tilespmem:$0x380];
	_ =	sdelay $0x2  }
0x82: {  	v43 =	vld [tilespmem:$0x190];
	v42 =	vmul.u32 $0xB, v40;
	[tilespmem:$0x5E0] =	vst v1  }
0x83: {  	v0 =	vld.idx.msk [tilespmem:v0+s9+$0x0], $0xffff  }
0x84: {  	v1 =	vadd.s32 v41, v42  }
0x85: {  	v44 =	vld [tilespmem:$0x390];
	_ =	sdelay $0x2  }
0x86: {  	v46 =	vld [tilespmem:$0x1A0];
	v45 =	vmul.u32 $0xB, v43;
	[tilespmem:$0x5F0] =	vst v0  }
0x87: {  	v1 =	vld.idx.msk [tilespmem:v1+s9+$0x0], $0xffff  }
0x88: {  	v0 =	vadd.s32 v44, v45  }
0x89: {  	v47 =	vld [tilespmem:$0x3A0];
	_ =	sdelay $0x2  }
0x8a: {  	v49 =	vld [tilespmem:$0x1B0];
	v48 =	vmul.u32 $0xB, v46;
	[tilespmem:$0x600] =	vst v1  }
0x8b: {  	v0 =	vld.idx.msk [tilespmem:v0+s9+$0x0], $0xffff  }
0x8c: {  	v1 =	vadd.s32 v47, v48  }
0x8d: {  	v50 =	vld [tilespmem:$0x3B0];
	_ =	sdelay $0x2  }
0x8e: {  	v52 =	vld [tilespmem:$0x1C0];
	v51 =	vmul.u32 $0xB, v49;
	[tilespmem:$0x610] =	vst v0  }
0x8f: {  	v1 =	vld.idx.msk [tilespmem:v1+s9+$0x0], $0xffff  }
0x90: {  	v0 =	vadd.s32 v50, v51  }
0x91: {  	v53 =	vld [tilespmem:$0x3C0];
	_ =	sdelay $0x2  }
0x92: {  	v55 =	vld [tilespmem:$0x1D0];
	v54 =	vmul.u32 $0xB, v52;
	[tilespmem:$0x620] =	vst v1  }
0x93: {  	v0 =	vld.idx.msk [tilespmem:v0+s9+$0x0], $0xffff  }
0x94: {  	v1 =	vadd.s32 v53, v54  }
0x95: {  	v56 =	vld [tilespmem:$0x3D0];
	_ =	sdelay $0x2  }
0x96: {  	v58 =	vld [tilespmem:$0x1E0];
	v57 =	vmul.u32 $0xB, v55;
	[tilespmem:$0x630] =	vst v0  }
0x97: {  	v1 =	vld.idx.msk [tilespmem:v1+s9+$0x0], $0xffff  }
0x98: {  	v0 =	vadd.s32 v56, v57  }
0x99: {  	v59 =	vld [tilespmem:$0x3E0];
	_ =	sdelay $0x2  }
0x9a: {  	v61 =	vld [tilespmem:$0x1F0];
	v60 =	vmul.u32 $0xB, v58;
	[tilespmem:$0x640] =	vst v1  }
0x9b: {  	v0 =	vld.idx.msk [tilespmem:v0+s9+$0x0], $0xffff  }
0x9c: {  	v1 =	vadd.s32 v59, v60  }
0x9d: {  	v62 =	vld [tilespmem:$0x3F0];
	_ =	sdelay $0x2  }
0x9e: {  	v63 =	vmul.u32 $0xB, v61;
	[tilespmem:$0x650] =	vst v0  }
0x9f: {  	v1 =	vld.idx.msk [tilespmem:v1+s9+$0x0], $0xffff  }
0xa0: {  	v0 =	vadd.s32 v62, v63;
	_ =	sdelay $0x3  }
0xa1: {  	[tilespmem:$0x660] =	vst v1  }
0xa2: {  	v0 =	vld.idx.msk [tilespmem:v0+s9+$0x0], $0xffff;
	_ =	sdelay $0x4  }
0xa3: {  	[tilespmem:$0x670] =	vst v0  }
0xa4: {  	[hbm4b:s7+s2] =	stream.linear.scatter [tilespmem:s13], [sflag:$0x1], $0x100, $0x38;
	[tilespmem:$0x680] =	vst v63  }
0xa5: {  	p0 =	sne.s32 s8, $0x1;
	_ =	swait.ge [sflag:s11], $0x100  }
.Ltmp0:
0xa6: {  	[sflag:s11] =	ssyncset.done $0x0;
	(pc) =	sbr.rel @p0 .LBB2_1-.Ltmp0, $4  }
0xa7: {  	[sflag:s11] =	ssyncadd.s32 $0xFFFFFF00  }
0xa8: {  	_ =	swait.ge [sflag:s11], $0x100  }
0xa9: {  	[sflag:s11] =	ssyncset.done $0x0  }
0xaa: {  	s8 =	sadd.s32 $0xFFFFFFFF, s8;
	[sflag:s11] =	ssyncadd.s32 $0xFFFFFF00  }
0xab: {  	_ =	sfence.sel $0x180000  }
0xac: {  	[bflag:$0x0] =	sbarrier.arrive $0xFFFF  }
0xad: {  	p0 =	sne.s32 s1, $0x0;
	_ =	strace $0x90000047  }
0xae: {  	s0 =	sadd.s32 @!p0 $0x100000, s0;
	[bflag:$0x2] =	sbarrier.arrive $0xFFFF  }
0xaf: {  	[sflag:s0] =	ssyncadd.tile.s32 @!p0 $0x1;
	_ =	shalt  }
.Lfunc_end2:
_tile_overlayer_lowered:
.L_overlay_start_2:
0xb0: {  	(tag) =	ssettag $0x2  }
0xb1: {  	s0 =	rddreg [dreg:$0x0];
	s2 =	stileid.u32  }
0xb2: {  	s1 =	rddreg [dreg:$0x1];
	p0 =	sne.s32 s2, $0x0  }
0xb3: {  	s3 =	rddreg [dreg:$0x2];
	[bflag:$0x3] =	sbarrier.arrive $0xFFFF;
	s2 =	simm.s32 @!p0 $0x1C02  }
0xb4: {  	[timem:s3], [sflag:s2] =	dma.local @!p0 [hbm:s0], s1  }
0xb5: {  	s0 =	simm.s32 @!p0 $0x2  }
0xb6: {  	_ =	swait.ge @!p0 [sflag:s0], s1  }
0xb7: {  	s1 =	ssub.s32 @!p0 $0x0, s1;
	[sflag:s0] =	ssyncset.done @!p0 $0x0  }
0xb8: {  	[sflag:s0] =	ssyncadd.s32 @!p0 s1  }
0xb9: {  	[bflag:$0x3] =	sbarrier.arrive $0xFFFF  }
0xba: {  	_ =	shalt  }

</sc_bundles>
